<compile_context>
chip_gen: v7x
topology: tpu7x:2x2x1
jax: 0.10.2.dev20260603
libtpu: 0.0.44.dev20260713+nightly
codegen_flags: <defaults>
</compile_context>

<pallas_src>
import jax
import jax.numpy as jnp
from jax import lax
from jax.experimental import pallas as pl
from jax.experimental.pallas import tpu as pltpu
from jax.experimental.pallas import tpu_sc as plsc

N_NODES = 10000
IN_CH = 128
HID = 16
OUT_CH = 128
E = 320000

NC, NS, LANES = 2, 16, 16
NW = NC * NS
BLK = 128
NBLK_TOT = E // BLK
NBLK_BASE = NBLK_TOT // NW
NBLK_XTRA = NBLK_TOT % NW
NBLK_MAX = NBLK_BASE + 1
PK = N_NODES // 8
ROWS_PER_SUB = N_NODES // NS


NCHUNK = 4
CH_E = NBLK_BASE * BLK // NCHUNK
ZROWS = 125


def _seg_sum_body(y_hbm, ei_hbm, out_hbm,
                  src_v, dst_v, tidx_v, bufa, bufb, tailbuf, zrow_v,
                  y_sh, acc_sh, sema, semb, semst, semt):
    c = lax.axis_index("c")
    s = lax.axis_index("s")
    wid = s * NC + c
    base = NBLK_BASE * BLK * wid

    sts = []
    for k in range(NCHUNK):
        sts.append(pltpu.async_copy(
            ei_hbm.at[pl.ds(base + k * CH_E, CH_E)], src_v.at[k], semst))
        sts.append(pltpu.async_copy(
            ei_hbm.at[pl.ds(E + base + k * CH_E, CH_E)], dst_v.at[k], semst))
    sts.append(pltpu.async_copy(
        y_hbm.at[pl.ds(s * ROWS_PER_SUB, ROWS_PER_SUB)],
        y_sh.at[pl.ds(s * ROWS_PER_SUB, ROWS_PER_SUB)], semst))

    @plsc.parallel_loop(0, ZROWS, step=1, unroll=8)
    def _(i):
        zrow_v[i, :] = jnp.zeros((LANES,), jnp.float32)

    for st in sts:
        st.wait()
    for t in range(ROWS_PER_SUB // ZROWS):
        pltpu.sync_copy(zrow_v,
                        acc_sh.at[pl.ds(s * ROWS_PER_SUB + t * ZROWS, ZROWS)])
    plsc.subcore_barrier()

    @pl.when(wid < NBLK_XTRA)
    def _():
        xoff = NBLK_BASE * BLK * NW + wid * BLK
        pltpu.sync_copy(ei_hbm.at[pl.ds(xoff, BLK)], tidx_v.at[0])
        pltpu.sync_copy(ei_hbm.at[pl.ds(E + xoff, BLK)], tidx_v.at[1])
        pltpu.async_copy(y_sh.at[tidx_v.at[0]], tailbuf, semt).wait()
        pltpu.sync_copy(tailbuf, acc_sh.at[tidx_v.at[1]], add=True)

    pltpu.async_copy(y_sh.at[src_v.at[0]], bufa, sema)
    pltpu.async_copy(y_sh.at[src_v.at[1]], bufb, semb)
    for k in range(NCHUNK):
        buf, sem = (bufa, sema) if k % 2 == 0 else (bufb, semb)
        pltpu.make_async_copy(y_sh.at[src_v.at[k]], buf, sem).wait()
        pltpu.sync_copy(buf, acc_sh.at[dst_v.at[k]], add=True)
        if k + 2 < NCHUNK:
            pltpu.async_copy(y_sh.at[src_v.at[k + 2]], buf, sem)
    plsc.subcore_barrier()

    pltpu.sync_copy(acc_sh.at[pl.ds(s * ROWS_PER_SUB, ROWS_PER_SUB)],
                    out_hbm.at[c, pl.ds(s * ROWS_PER_SUB, ROWS_PER_SUB)])


def _seg_sum(y_lin, ei_v):
    mesh = plsc.VectorSubcoreMesh(core_axis_name="c", subcore_axis_name="s",
                                  num_cores=NC, num_subcores=NS)
    return pl.kernel(
        _seg_sum_body,
        out_type=jax.ShapeDtypeStruct((NC, N_NODES, LANES), jnp.float32),
        mesh=mesh,
        scratch_types=[
            pltpu.VMEM((NCHUNK, CH_E), jnp.int32),
            pltpu.VMEM((NCHUNK, CH_E), jnp.int32),
            pltpu.VMEM((2, BLK), jnp.int32),
            pltpu.VMEM((CH_E, LANES), jnp.float32),
            pltpu.VMEM((CH_E, LANES), jnp.float32),
            pltpu.VMEM((BLK, LANES), jnp.float32),
            pltpu.VMEM((ZROWS, LANES), jnp.float32),
            pltpu.VMEM_SHARED((N_NODES, LANES), jnp.float32),
            pltpu.VMEM_SHARED((N_NODES, LANES), jnp.float32),
            pltpu.SemaphoreType.DMA,
            pltpu.SemaphoreType.DMA,
            pltpu.SemaphoreType.DMA,
            pltpu.SemaphoreType.DMA,
        ],
        compiler_params=pltpu.CompilerParams(use_tc_tiling_on_sc=False),
    )(y_lin, ei_v)


def _mm1(x, wstack):
    XB, OB = 2048, 256
    def body(x_ref, w_ref, o_ref):
        x2 = x_ref[...].reshape(x_ref.shape[0] // 8, 8 * IN_CH)
        o_ref[...] = jnp.dot(x2, w_ref[...], preferred_element_type=jnp.float32)
    return pl.pallas_call(
        body,
        grid=(pl.cdiv(N_NODES, XB),),
        in_specs=[pl.BlockSpec((XB, IN_CH), lambda i: (i, 0)),
                  pl.BlockSpec((8 * IN_CH, 128), lambda i: (0, 0))],
        out_specs=pl.BlockSpec((OB, 128), lambda i: (i, 0)),
        out_shape=jax.ShapeDtypeStruct((PK, 128), jnp.float32),
    )(x, wstack)


def _mid(y_pk, parts_pk, b1t, w2blk, b2t):
    MB = 256
    def body(y_ref, p_ref, b1_ref, w2_ref, b2_ref, o_ref):
        u = y_ref[...] + p_ref[0] + p_ref[1] + b1_ref[...]
        u = jnp.maximum(u, 0.0)
        v = jnp.dot(u, w2_ref[...], preferred_element_type=jnp.float32)
        o_ref[...] = jnp.maximum(v + b2_ref[...], 0.0)
    return pl.pallas_call(
        body,
        grid=(pl.cdiv(PK, MB),),
        in_specs=[pl.BlockSpec((MB, 128), lambda i: (i, 0)),
                  pl.BlockSpec((NC, MB, 128), lambda i: (0, i, 0)),
                  pl.BlockSpec((1, 128), lambda i: (0, 0)),
                  pl.BlockSpec((128, 128), lambda i: (0, 0)),
                  pl.BlockSpec((1, 128), lambda i: (0, 0))],
        out_specs=pl.BlockSpec((MB, 128), lambda i: (i, 0)),
        out_shape=jax.ShapeDtypeStruct((PK, 128), jnp.float32),
    )(y_pk, parts_pk, b1t, w2blk, b2t)


def _final(h_pk, parts_pk, w1exp, b1b, W2b, b2b):
    HB, NB = 256, 2048
    def body(h_ref, p_ref, w1_ref, b1_ref, w2_ref, b2_ref, o_ref):
        g = h_ref[...] + p_ref[0] + p_ref[1]
        t = jnp.dot(g, w1_ref[...], preferred_element_type=jnp.float32)
        t = t.reshape(NB, OUT_CH) + b1_ref[...]
        t = jnp.maximum(t, 0.0)
        o_ref[...] = jnp.dot(t, w2_ref[...],
                             preferred_element_type=jnp.float32) + b2_ref[...]
    return pl.pallas_call(
        body,
        grid=(pl.cdiv(N_NODES, NB),),
        in_specs=[pl.BlockSpec((HB, 128), lambda i: (i, 0)),
                  pl.BlockSpec((NC, HB, 128), lambda i: (0, i, 0)),
                  pl.BlockSpec((128, 8 * OUT_CH), lambda i: (0, 0)),
                  pl.BlockSpec((1, OUT_CH), lambda i: (0, 0)),
                  pl.BlockSpec((OUT_CH, OUT_CH), lambda i: (0, 0)),
                  pl.BlockSpec((1, OUT_CH), lambda i: (0, 0))],
        out_specs=pl.BlockSpec((NB, OUT_CH), lambda i: (i, 0)),
        out_shape=jax.ShapeDtypeStruct((N_NODES, OUT_CH), jnp.float32),
    )(h_pk, parts_pk, w1exp, b1b, W2b, b2b)


def kernel(x, edge_index, W1a, b1a, W2a, b2a, W1b, b1b, W2b, b2b):
    ei_v = edge_index.astype(jnp.int32).reshape(2 * E)
    eye8 = jnp.eye(8, dtype=jnp.float32)
    wstack = jnp.kron(eye8, W1a)
    w2blk = jnp.kron(eye8, W2a)
    w1exp = jnp.kron(eye8, W1b)
    b1t = jnp.tile(b1a, 8).reshape(1, 128)
    b2t = jnp.tile(b2a, 8).reshape(1, 128)

    y_pk = _mm1(x, wstack)
    p1 = _seg_sum(y_pk.reshape(N_NODES, HID), ei_v)
    h1_pk = _mid(y_pk, p1.reshape(NC, PK, 128), b1t, w2blk, b2t)
    p2 = _seg_sum(h1_pk.reshape(N_NODES, HID), ei_v)
    return _final(h1_pk, p2.reshape(NC, PK, 128), w1exp,
                  b1b.reshape(1, OUT_CH), W2b, b2b.reshape(1, OUT_CH))

# --- scband reference (transcript-rebuilt; emitter-appended) ---
"""Pipeline reference for scband-gin2-84954453114992 (READ-ONLY COPY).

The authoritative reference and input builder live on the scoring server;
editing this copy changes nothing except your own understanding.
"""

import jax, jax.numpy as jnp
import numpy as np

IN_CH = 128
HID = 16
OUT_CH = 128
N_NODES = 10000
N_EDGES = 320000


def _init_linear(key, fan_in, fan_out):
    k1, k2 = jax.random.split(key)
    bound = 1.0 / np.sqrt(fan_in)
    W = jax.random.uniform(k1, (fan_in, fan_out), minval=-bound, maxval=bound, dtype=jnp.float32)
    b = jax.random.uniform(k2, (fan_out,), minval=-bound, maxval=bound, dtype=jnp.float32)
    return W, b


def setup_inputs(seed: int = 0) -> dict:
    key = jax.random.key(seed)
    ks = jax.random.split(key, 6)
    x = jax.random.normal(ks[0], (N_NODES, IN_CH), dtype=jnp.float32)
    edge_index = jax.random.randint(ks[1], (2, N_EDGES), 0, N_NODES, dtype=jnp.int64)
    # Layer 1 GINConv MLP: [IN_CH -> HID -> HID]
    W1a, b1a = _init_linear(ks[2], IN_CH, HID)
    W2a, b2a = _init_linear(ks[3], HID, HID)
    # Layer 2 GINConv MLP: [HID -> OUT_CH -> OUT_CH]
    W1b, b1b = _init_linear(ks[4], HID, OUT_CH)
    W2b, b2b = _init_linear(ks[5], OUT_CH, OUT_CH)
    return {"x": x, "edge_index": edge_index,
            "W1a": W1a, "b1a": b1a, "W2a": W2a, "b2a": b2a,
            "W1b": W1b, "b1b": b1b, "W2b": W2b, "b2b": b2b}


def _gin_conv(x, edge_index, W1, b1, W2, b2, eps=0.0):
    # GINConv: mlp((1 + eps) * x + sum_{j in N(i)} x_j)
    src = edge_index[0]
    dst = edge_index[1]
    msgs = jnp.take(x, src, axis=0)                      # gather (SparseCore)
    agg = jax.ops.segment_sum(msgs, dst, num_segments=x.shape[0])  # scatter-add
    h = (1.0 + eps) * x + agg
    h = h @ W1 + b1
    h = jax.nn.relu(h)
    h = h @ W2 + b2
    return h


def reference(x, edge_index, W1a, b1a, W2a, b2a, W1b, b1b, W2b, b2b):
    # GIN with num_layers=2, hidden=16, out=128; dropout is identity at inference.
    h = _gin_conv(x, edge_index, W1a, b1a, W2a, b2a)
    h = jax.nn.relu(h)
    h = _gin_conv(h, edge_index, W1b, b1b, W2b, b2b)
    return h

if __name__ == "__main__":
    import jax
    _d = setup_inputs()
    print(jax.jit(kernel)(*tuple(_d.values())))

</pallas_src>

<mosaic_0001>
#map = affine_map<(d0, d1) -> (0, 0)>
#map1 = affine_map<(d0, d1) -> (0)>
#map2 = affine_map<(d0, d1) -> (0, 0, 0)>
module attributes {stable_mosaic.version = 14 : i64} {
  func.func @_seg_sum_body(%arg0: i32, %arg1: i32, %arg2: memref<10000x16xf32, #tpu.memory_space<hbm>>, %arg3: memref<640000xi32, #tpu.memory_space<hbm>>, %arg4: memref<2x10000x16xf32, #tpu.memory_space<hbm>>, %arg5: memref<4x2496xi32, #tpu.memory_space<vmem>>, %arg6: memref<4x2496xi32, #tpu.memory_space<vmem>>, %arg7: memref<2x128xi32, #tpu.memory_space<vmem>>, %arg8: memref<2496x16xf32, #tpu.memory_space<vmem>>, %arg9: memref<2496x16xf32, #tpu.memory_space<vmem>>, %arg10: memref<128x16xf32, #tpu.memory_space<vmem>>, %arg11: memref<125x16xf32, #tpu.memory_space<vmem>>, %arg12: memref<10000x16xf32, #tpu.memory_space<vmem_shared>>, %arg13: memref<10000x16xf32, #tpu.memory_space<vmem_shared>>, %arg14: memref<!tpu.dma_semaphore, #tpu.memory_space<semaphore_mem>>, %arg15: memref<!tpu.dma_semaphore, #tpu.memory_space<semaphore_mem>>, %arg16: memref<!tpu.dma_semaphore, #tpu.memory_space<semaphore_mem>>, %arg17: memref<!tpu.dma_semaphore, #tpu.memory_space<semaphore_mem>>) attributes {dimension_semantics = [#tpu.dimension_semantics<core_parallel>, #tpu.dimension_semantics<subcore_parallel>], iteration_bounds = array<i64: 2, 16>, scalar_prefetch = 0 : i64, scratch_operands = 13 : i64, tpu.core_type = #tpu.core_type<sc_vector_subcore>, window_params = [{transform_indices = #map}, {transform_indices = #map1}, {transform_indices = #map2}]} {
    %mul3A = arith.constant 2 : i32
    %mul3A_0 = arith.muli %arg1, %mul3A : i32
    %add3A = arith.addi %mul3A_0, %arg0 : i32
    %mul3A_1 = arith.constant 9984 : i32
    %mul3A_2 = arith.muli %mul3A_1, %add3A : i32
    %add3A_3 = arith.constant 0 : i32
    %add3A_4 = arith.addi %mul3A_2, %add3A_3 : i32
    %dma_start3A = arith.constant 0 : i32
    %dma_start3A_5 = arith.constant 0 : i32
    %dma_start3A_6 = tpu.memref_slice %arg5[%dma_start3A, %dma_start3A_5] : memref<4x2496xi32, #tpu.memory_space<vmem>> -> memref<1x2496xi32, #tpu.memory_space<vmem>>
    %dma_start3A_7 = tpu.memref_squeeze %dma_start3A_6 : memref<1x2496xi32, #tpu.memory_space<vmem>> -> memref<2496xi32, #tpu.memory_space<vmem>>
    %dma_start3A_8 = tpu.memref_slice %arg3[%add3A_4] : memref<640000xi32, #tpu.memory_space<hbm>> -> memref<2496xi32, #tpu.memory_space<hbm>>
    %dma_start3A_9 = arith.constant 0 : i32
    %dma_start3A_10 = tpu.memref_slice %arg5[%dma_start3A, %dma_start3A_9] : memref<4x2496xi32, #tpu.memory_space<vmem>> -> memref<1x2496xi32, #tpu.memory_space<vmem>>
    %dma_start3A_11 = tpu.memref_squeeze %dma_start3A_10 : memref<1x2496xi32, #tpu.memory_space<vmem>> -> memref<2496xi32, #tpu.memory_space<vmem>>
    %dma_start3A_12 = tpu.memref_slice %arg3[%add3A_4] : memref<640000xi32, #tpu.memory_space<hbm>> -> memref<2496xi32, #tpu.memory_space<hbm>>
    tpu.enqueue_dma source(%dma_start3A_12 : memref<2496xi32, #tpu.memory_space<hbm>>) target(%dma_start3A_11 : memref<2496xi32, #tpu.memory_space<vmem>>) target_semaphore(%arg16 : memref<!tpu.dma_semaphore, #tpu.memory_space<semaphore_mem>>)
    %add3A_13 = arith.constant 320000 : i32
    %add3A_14 = arith.addi %add3A_13, %mul3A_2 : i32
    %add3A_15 = arith.constant 0 : i32
    %add3A_16 = arith.addi %add3A_14, %add3A_15 : i32
    %dma_start3A_17 = arith.constant 0 : i32
    %dma_start3A_18 = arith.constant 0 : i32
    %dma_start3A_19 = tpu.memref_slice %arg6[%dma_start3A_17, %dma_start3A_18] : memref<4x2496xi32, #tpu.memory_space<vmem>> -> memref<1x2496xi32, #tpu.memory_space<vmem>>
    %dma_start3A_20 = tpu.memref_squeeze %dma_start3A_19 : memref<1x2496xi32, #tpu.memory_space<vmem>> -> memref<2496xi32, #tpu.memory_space<vmem>>
    %dma_start3A_21 = tpu.memref_slice %arg3[%add3A_16] : memref<640000xi32, #tpu.memory_space<hbm>> -> memref<2496xi32, #tpu.memory_space<hbm>>
    %dma_start3A_22 = arith.constant 0 : i32
    %dma_start3A_23 = tpu.memref_slice %arg6[%dma_start3A_17, %dma_start3A_22] : memref<4x2496xi32, #tpu.memory_space<vmem>> -> memref<1x2496xi32, #tpu.memory_space<vmem>>
    %dma_start3A_24 = tpu.memref_squeeze %dma_start3A_23 : memref<1x2496xi32, #tpu.memory_space<vmem>> -> memref<2496xi32, #tpu.memory_space<vmem>>
    %dma_start3A_25 = tpu.memref_slice %arg3[%add3A_16] : memref<640000xi32, #tpu.memory_space<hbm>> -> memref<2496xi32, #tpu.memory_space<hbm>>
    tpu.enqueue_dma source(%dma_start3A_25 : memref<2496xi32, #tpu.memory_space<hbm>>) target(%dma_start3A_24 : memref<2496xi32, #tpu.memory_space<vmem>>) target_semaphore(%arg16 : memref<!tpu.dma_semaphore, #tpu.memory_space<semaphore_mem>>)
    %add3A_26 = arith.constant 2496 : i32
    %add3A_27 = arith.addi %mul3A_2, %add3A_26 : i32
    %dma_start3A_28 = arith.constant 1 : i32
    %dma_start3A_29 = arith.constant 0 : i32
    %dma_start3A_30 = tpu.memref_slice %arg5[%dma_start3A_28, %dma_start3A_29] : memref<4x2496xi32, #tpu.memory_space<vmem>> -> memref<1x2496xi32, #tpu.memory_space<vmem>>
    %dma_start3A_31 = tpu.memref_squeeze %dma_start3A_30 : memref<1x2496xi32, #tpu.memory_space<vmem>> -> memref<2496xi32, #tpu.memory_space<vmem>>
    %dma_start3A_32 = tpu.memref_slice %arg3[%add3A_27] : memref<640000xi32, #tpu.memory_space<hbm>> -> memref<2496xi32, #tpu.memory_space<hbm>>
    %dma_start3A_33 = arith.constant 0 : i32
    %dma_start3A_34 = tpu.memref_slice %arg5[%dma_start3A_28, %dma_start3A_33] : memref<4x2496xi32, #tpu.memory_space<vmem>> -> memref<1x2496xi32, #tpu.memory_space<vmem>>
    %dma_start3A_35 = tpu.memref_squeeze %dma_start3A_34 : memref<1x2496xi32, #tpu.memory_space<vmem>> -> memref<2496xi32, #tpu.memory_space<vmem>>
    %dma_start3A_36 = tpu.memref_slice %arg3[%add3A_27] : memref<640000xi32, #tpu.memory_space<hbm>> -> memref<2496xi32, #tpu.memory_space<hbm>>
    tpu.enqueue_dma source(%dma_start3A_36 : memref<2496xi32, #tpu.memory_space<hbm>>) target(%dma_start3A_35 : memref<2496xi32, #tpu.memory_space<vmem>>) target_semaphore(%arg16 : memref<!tpu.dma_semaphore, #tpu.memory_space<semaphore_mem>>)
    %add3A_37 = arith.constant 320000 : i32
    %add3A_38 = arith.addi %add3A_37, %mul3A_2 : i32
    %add3A_39 = arith.constant 2496 : i32
    %add3A_40 = arith.addi %add3A_38, %add3A_39 : i32
    %dma_start3A_41 = arith.constant 1 : i32
    %dma_start3A_42 = arith.constant 0 : i32
    %dma_start3A_43 = tpu.memref_slice %arg6[%dma_start3A_41, %dma_start3A_42] : memref<4x2496xi32, #tpu.memory_space<vmem>> -> memref<1x2496xi32, #tpu.memory_space<vmem>>
    %dma_start3A_44 = tpu.memref_squeeze %dma_start3A_43 : memref<1x2496xi32, #tpu.memory_space<vmem>> -> memref<2496xi32, #tpu.memory_space<vmem>>
    %dma_start3A_45 = tpu.memref_slice %arg3[%add3A_40] : memref<640000xi32, #tpu.memory_space<hbm>> -> memref<2496xi32, #tpu.memory_space<hbm>>
    %dma_start3A_46 = arith.constant 0 : i32
    %dma_start3A_47 = tpu.memref_slice %arg6[%dma_start3A_41, %dma_start3A_46] : memref<4x2496xi32, #tpu.memory_space<vmem>> -> memref<1x2496xi32, #tpu.memory_space<vmem>>
    %dma_start3A_48 = tpu.memref_squeeze %dma_start3A_47 : memref<1x2496xi32, #tpu.memory_space<vmem>> -> memref<2496xi32, #tpu.memory_space<vmem>>
    %dma_start3A_49 = tpu.memref_slice %arg3[%add3A_40] : memref<640000xi32, #tpu.memory_space<hbm>> -> memref<2496xi32, #tpu.memory_space<hbm>>
    tpu.enqueue_dma source(%dma_start3A_49 : memref<2496xi32, #tpu.memory_space<hbm>>) target(%dma_start3A_48 : memref<2496xi32, #tpu.memory_space<vmem>>) target_semaphore(%arg16 : memref<!tpu.dma_semaphore, #tpu.memory_space<semaphore_mem>>)
    %add3A_50 = arith.constant 4992 : i32
    %add3A_51 = arith.addi %mul3A_2, %add3A_50 : i32
    %dma_start3A_52 = arith.constant 2 : i32
    %dma_start3A_53 = arith.constant 0 : i32
    %dma_start3A_54 = tpu.memref_slice %arg5[%dma_start3A_52, %dma_start3A_53] : memref<4x2496xi32, #tpu.memory_space<vmem>> -> memref<1x2496xi32, #tpu.memory_space<vmem>>
    %dma_start3A_55 = tpu.memref_squeeze %dma_start3A_54 : memref<1x2496xi32, #tpu.memory_space<vmem>> -> memref<2496xi32, #tpu.memory_space<vmem>>
    %dma_start3A_56 = tpu.memref_slice %arg3[%add3A_51] : memref<640000xi32, #tpu.memory_space<hbm>> -> memref<2496xi32, #tpu.memory_space<hbm>>
    %dma_start3A_57 = arith.constant 0 : i32
    %dma_start3A_58 = tpu.memref_slice %arg5[%dma_start3A_52, %dma_start3A_57] : memref<4x2496xi32, #tpu.memory_space<vmem>> -> memref<1x2496xi32, #tpu.memory_space<vmem>>
    %dma_start3A_59 = tpu.memref_squeeze %dma_start3A_58 : memref<1x2496xi32, #tpu.memory_space<vmem>> -> memref<2496xi32, #tpu.memory_space<vmem>>
    %dma_start3A_60 = tpu.memref_slice %arg3[%add3A_51] : memref<640000xi32, #tpu.memory_space<hbm>> -> memref<2496xi32, #tpu.memory_space<hbm>>
    tpu.enqueue_dma source(%dma_start3A_60 : memref<2496xi32, #tpu.memory_space<hbm>>) target(%dma_start3A_59 : memref<2496xi32, #tpu.memory_space<vmem>>) target_semaphore(%arg16 : memref<!tpu.dma_semaphore, #tpu.memory_space<semaphore_mem>>)
    %add3A_61 = arith.constant 320000 : i32
    %add3A_62 = arith.addi %add3A_61, %mul3A_2 : i32
    %add3A_63 = arith.constant 4992 : i32
    %add3A_64 = arith.addi %add3A_62, %add3A_63 : i32
    %dma_start3A_65 = arith.constant 2 : i32
    %dma_start3A_66 = arith.constant 0 : i32
    %dma_start3A_67 = tpu.memref_slice %arg6[%dma_start3A_65, %dma_start3A_66] : memref<4x2496xi32, #tpu.memory_space<vmem>> -> memref<1x2496xi32, #tpu.memory_space<vmem>>
    %dma_start3A_68 = tpu.memref_squeeze %dma_start3A_67 : memref<1x2496xi32, #tpu.memory_space<vmem>> -> memref<2496xi32, #tpu.memory_space<vmem>>
    %dma_start3A_69 = tpu.memref_slice %arg3[%add3A_64] : memref<640000xi32, #tpu.memory_space<hbm>> -> memref<2496xi32, #tpu.memory_space<hbm>>
    %dma_start3A_70 = arith.constant 0 : i32
    %dma_start3A_71 = tpu.memref_slice %arg6[%dma_start3A_65, %dma_start3A_70] : memref<4x2496xi32, #tpu.memory_space<vmem>> -> memref<1x2496xi32, #tpu.memory_space<vmem>>
    %dma_start3A_72 = tpu.memref_squeeze %dma_start3A_71 : memref<1x2496xi32, #tpu.memory_space<vmem>> -> memref<2496xi32, #tpu.memory_space<vmem>>
    %dma_start3A_73 = tpu.memref_slice %arg3[%add3A_64] : memref<640000xi32, #tpu.memory_space<hbm>> -> memref<2496xi32, #tpu.memory_space<hbm>>
    tpu.enqueue_dma source(%dma_start3A_73 : memref<2496xi32, #tpu.memory_space<hbm>>) target(%dma_start3A_72 : memref<2496xi32, #tpu.memory_space<vmem>>) target_semaphore(%arg16 : memref<!tpu.dma_semaphore, #tpu.memory_space<semaphore_mem>>)
    %add3A_74 = arith.constant 7488 : i32
    %add3A_75 = arith.addi %mul3A_2, %add3A_74 : i32
    %dma_start3A_76 = arith.constant 3 : i32
    %dma_start3A_77 = arith.constant 0 : i32
    %dma_start3A_78 = tpu.memref_slice %arg5[%dma_start3A_76, %dma_start3A_77] : memref<4x2496xi32, #tpu.memory_space<vmem>> -> memref<1x2496xi32, #tpu.memory_space<vmem>>
    %dma_start3A_79 = tpu.memref_squeeze %dma_start3A_78 : memref<1x2496xi32, #tpu.memory_space<vmem>> -> memref<2496xi32, #tpu.memory_space<vmem>>
    %dma_start3A_80 = tpu.memref_slice %arg3[%add3A_75] : memref<640000xi32, #tpu.memory_space<hbm>> -> memref<2496xi32, #tpu.memory_space<hbm>>
    %dma_start3A_81 = arith.constant 0 : i32
    %dma_start3A_82 = tpu.memref_slice %arg5[%dma_start3A_76, %dma_start3A_81] : memref<4x2496xi32, #tpu.memory_space<vmem>> -> memref<1x2496xi32, #tpu.memory_space<vmem>>
    %dma_start3A_83 = tpu.memref_squeeze %dma_start3A_82 : memref<1x2496xi32, #tpu.memory_space<vmem>> -> memref<2496xi32, #tpu.memory_space<vmem>>
    %dma_start3A_84 = tpu.memref_slice %arg3[%add3A_75] : memref<640000xi32, #tpu.memory_space<hbm>> -> memref<2496xi32, #tpu.memory_space<hbm>>
    tpu.enqueue_dma source(%dma_start3A_84 : memref<2496xi32, #tpu.memory_space<hbm>>) target(%dma_start3A_83 : memref<2496xi32, #tpu.memory_space<vmem>>) target_semaphore(%arg16 : memref<!tpu.dma_semaphore, #tpu.memory_space<semaphore_mem>>)
    %add3A_85 = arith.constant 320000 : i32
    %add3A_86 = arith.addi %add3A_85, %mul3A_2 : i32
    %add3A_87 = arith.constant 7488 : i32
    %add3A_88 = arith.addi %add3A_86, %add3A_87 : i32
    %dma_start3A_89 = arith.constant 3 : i32
    %dma_start3A_90 = arith.constant 0 : i32
    %dma_start3A_91 = tpu.memref_slice %arg6[%dma_start3A_89, %dma_start3A_90] : memref<4x2496xi32, #tpu.memory_space<vmem>> -> memref<1x2496xi32, #tpu.memory_space<vmem>>
    %dma_start3A_92 = tpu.memref_squeeze %dma_start3A_91 : memref<1x2496xi32, #tpu.memory_space<vmem>> -> memref<2496xi32, #tpu.memory_space<vmem>>
    %dma_start3A_93 = tpu.memref_slice %arg3[%add3A_88] : memref<640000xi32, #tpu.memory_space<hbm>> -> memref<2496xi32, #tpu.memory_space<hbm>>
    %dma_start3A_94 = arith.constant 0 : i32
    %dma_start3A_95 = tpu.memref_slice %arg6[%dma_start3A_89, %dma_start3A_94] : memref<4x2496xi32, #tpu.memory_space<vmem>> -> memref<1x2496xi32, #tpu.memory_space<vmem>>
    %dma_start3A_96 = tpu.memref_squeeze %dma_start3A_95 : memref<1x2496xi32, #tpu.memory_space<vmem>> -> memref<2496xi32, #tpu.memory_space<vmem>>
    %dma_start3A_97 = tpu.memref_slice %arg3[%add3A_88] : memref<640000xi32, #tpu.memory_space<hbm>> -> memref<2496xi32, #tpu.memory_space<hbm>>
    tpu.enqueue_dma source(%dma_start3A_97 : memref<2496xi32, #tpu.memory_space<hbm>>) target(%dma_start3A_96 : memref<2496xi32, #tpu.memory_space<vmem>>) target_semaphore(%arg16 : memref<!tpu.dma_semaphore, #tpu.memory_space<semaphore_mem>>)
    %mul3A_98 = arith.constant 625 : i32
    %mul3A_99 = arith.muli %arg1, %mul3A_98 : i32
    %mul3A_100 = arith.constant 625 : i32
    %mul3A_101 = arith.muli %arg1, %mul3A_100 : i32
    %dma_start3A_102 = arith.constant 0 : i32
    %dma_start3A_103 = tpu.memref_slice %arg12[%mul3A_101, %dma_start3A_102] : memref<10000x16xf32, #tpu.memory_space<vmem_shared>> -> memref<625x16xf32, #tpu.memory_space<vmem_shared>>
    %dma_start3A_104 = arith.constant 0 : i32
    %dma_start3A_105 = tpu.memref_slice %arg2[%mul3A_99, %dma_start3A_104] : memref<10000x16xf32, #tpu.memory_space<hbm>> -> memref<625x16xf32, #tpu.memory_space<hbm>>
    tpu.enqueue_dma source(%dma_start3A_105 : memref<625x16xf32, #tpu.memory_space<hbm>>) target(%dma_start3A_103 : memref<625x16xf32, #tpu.memory_space<vmem_shared>>) target_semaphore(%arg16 : memref<!tpu.dma_semaphore, #tpu.memory_space<semaphore_mem>>)
    %parallel_loop3A = arith.constant 0 : i32
    %parallel_loop3A_106 = arith.constant 125 : i32
    %parallel_loop3A_107 = arith.constant 1 : i32
    scf.for %parallel_loop3A_269 = %parallel_loop3A to %parallel_loop3A_106 step %parallel_loop3A_107  : i32 {
      %parallel_loop3A_270 = arith.constant 0.000000e+00 : f32
      %parallel_loop3A_271 = vector.broadcast %parallel_loop3A_270 : f32 to vector<16xf32>
      %parallel_loop3A_272 = arith.index_cast %parallel_loop3A_269 : i32 to index
      %parallel_loop3A_273 = arith.constant 0 : index
      %parallel_loop3A_274 = tpu.vector_load %arg11[%parallel_loop3A_272, %parallel_loop3A_273] {strides = array<i32>} : memref<125x16xf32, #tpu.memory_space<vmem>>, vector<1x16xf32>,
      %parallel_loop3A_275 = vector.shape_cast %parallel_loop3A_274 : vector<1x16xf32> to vector<16xf32>
      %parallel_loop3A_276 = vector.shape_cast %parallel_loop3A_271 : vector<16xf32> to vector<1x16xf32>
      tpu.vector_store %arg11[%parallel_loop3A_272, %parallel_loop3A_273], %parallel_loop3A_276 {strides = array<i32>} : memref<125x16xf32, #tpu.memory_space<vmem>>, vector<1x16xf32>,
    } {sc.loop_unroll_factor = 8 : i64, sc.parallel_access}
    %dma_wait3A = arith.constant 0 : i32
    %dma_wait3A_108 = arith.constant 0 : i32
    %dma_wait3A_109 = tpu.memref_slice %arg5[%dma_wait3A, %dma_wait3A_108] : memref<4x2496xi32, #tpu.memory_space<vmem>> -> memref<1x2496xi32, #tpu.memory_space<vmem>>
    %dma_wait3A_110 = tpu.memref_squeeze %dma_wait3A_109 : memref<1x2496xi32, #tpu.memory_space<vmem>> -> memref<2496xi32, #tpu.memory_space<vmem>>
    %dma_wait3A_111 = tpu.memref_slice %arg3[%add3A_4] : memref<640000xi32, #tpu.memory_space<hbm>> -> memref<2496xi32, #tpu.memory_space<hbm>>
    %dma_wait3A_112 = arith.constant 0 : i32
    %dma_wait3A_113 = tpu.memref_slice %arg5[%dma_wait3A, %dma_wait3A_112] : memref<4x2496xi32, #tpu.memory_space<vmem>> -> memref<1x2496xi32, #tpu.memory_space<vmem>>
    %dma_wait3A_114 = tpu.memref_squeeze %dma_wait3A_113 : memref<1x2496xi32, #tpu.memory_space<vmem>> -> memref<2496xi32, #tpu.memory_space<vmem>>
    %dma_wait3A_115 = tpu.memref_slice %arg3[%add3A_4] : memref<640000xi32, #tpu.memory_space<hbm>> -> memref<2496xi32, #tpu.memory_space<hbm>>
    tpu.wait_dma2 semaphore(%arg16 : memref<!tpu.dma_semaphore, #tpu.memory_space<semaphore_mem>>) src(%dma_wait3A_115 : memref<2496xi32, #tpu.memory_space<hbm>>) dst(%dma_wait3A_114 : memref<2496xi32, #tpu.memory_space<vmem>>)
    %dma_wait3A_116 = arith.constant 0 : i32
    %dma_wait3A_117 = arith.constant 0 : i32
    %dma_wait3A_118 = tpu.memref_slice %arg6[%dma_wait3A_116, %dma_wait3A_117] : memref<4x2496xi32, #tpu.memory_space<vmem>> -> memref<1x2496xi32, #tpu.memory_space<vmem>>
    %dma_wait3A_119 = tpu.memref_squeeze %dma_wait3A_118 : memref<1x2496xi32, #tpu.memory_space<vmem>> -> memref<2496xi32, #tpu.memory_space<vmem>>
    %dma_wait3A_120 = tpu.memref_slice %arg3[%add3A_16] : memref<640000xi32, #tpu.memory_space<hbm>> -> memref<2496xi32, #tpu.memory_space<hbm>>
    %dma_wait3A_121 = arith.constant 0 : i32
    %dma_wait3A_122 = tpu.memref_slice %arg6[%dma_wait3A_116, %dma_wait3A_121] : memref<4x2496xi32, #tpu.memory_space<vmem>> -> memref<1x2496xi32, #tpu.memory_space<vmem>>
    %dma_wait3A_123 = tpu.memref_squeeze %dma_wait3A_122 : memref<1x2496xi32, #tpu.memory_space<vmem>> -> memref<2496xi32, #tpu.memory_space<vmem>>
    %dma_wait3A_124 = tpu.memref_slice %arg3[%add3A_16] : memref<640000xi32, #tpu.memory_space<hbm>> -> memref<2496xi32, #tpu.memory_space<hbm>>
    tpu.wait_dma2 semaphore(%arg16 : memref<!tpu.dma_semaphore, #tpu.memory_space<semaphore_mem>>) src(%dma_wait3A_124 : memref<2496xi32, #tpu.memory_space<hbm>>) dst(%dma_wait3A_123 : memref<2496xi32, #tpu.memory_space<vmem>>)
    %dma_wait3A_125 = arith.constant 1 : i32
    %dma_wait3A_126 = arith.constant 0 : i32
    %dma_wait3A_127 = tpu.memref_slice %arg5[%dma_wait3A_125, %dma_wait3A_126] : memref<4x2496xi32, #tpu.memory_space<vmem>> -> memref<1x2496xi32, #tpu.memory_space<vmem>>
    %dma_wait3A_128 = tpu.memref_squeeze %dma_wait3A_127 : memref<1x2496xi32, #tpu.memory_space<vmem>> -> memref<2496xi32, #tpu.memory_space<vmem>>
    %dma_wait3A_129 = tpu.memref_slice %arg3[%add3A_27] : memref<640000xi32, #tpu.memory_space<hbm>> -> memref<2496xi32, #tpu.memory_space<hbm>>
    %dma_wait3A_130 = arith.constant 0 : i32
    %dma_wait3A_131 = tpu.memref_slice %arg5[%dma_wait3A_125, %dma_wait3A_130] : memref<4x2496xi32, #tpu.memory_space<vmem>> -> memref<1x2496xi32, #tpu.memory_space<vmem>>
    %dma_wait3A_132 = tpu.memref_squeeze %dma_wait3A_131 : memref<1x2496xi32, #tpu.memory_space<vmem>> -> memref<2496xi32, #tpu.memory_space<vmem>>
    %dma_wait3A_133 = tpu.memref_slice %arg3[%add3A_27] : memref<640000xi32, #tpu.memory_space<hbm>> -> memref<2496xi32, #tpu.memory_space<hbm>>
    tpu.wait_dma2 semaphore(%arg16 : memref<!tpu.dma_semaphore, #tpu.memory_space<semaphore_mem>>) src(%dma_wait3A_133 : memref<2496xi32, #tpu.memory_space<hbm>>) dst(%dma_wait3A_132 : memref<2496xi32, #tpu.memory_space<vmem>>)
    %dma_wait3A_134 = arith.constant 1 : i32
    %dma_wait3A_135 = arith.constant 0 : i32
    %dma_wait3A_136 = tpu.memref_slice %arg6[%dma_wait3A_134, %dma_wait3A_135] : memref<4x2496xi32, #tpu.memory_space<vmem>> -> memref<1x2496xi32, #tpu.memory_space<vmem>>
    %dma_wait3A_137 = tpu.memref_squeeze %dma_wait3A_136 : memref<1x2496xi32, #tpu.memory_space<vmem>> -> memref<2496xi32, #tpu.memory_space<vmem>>
    %dma_wait3A_138 = tpu.memref_slice %arg3[%add3A_40] : memref<640000xi32, #tpu.memory_space<hbm>> -> memref<2496xi32, #tpu.memory_space<hbm>>
    %dma_wait3A_139 = arith.constant 0 : i32
    %dma_wait3A_140 = tpu.memref_slice %arg6[%dma_wait3A_134, %dma_wait3A_139] : memref<4x2496xi32, #tpu.memory_space<vmem>> -> memref<1x2496xi32, #tpu.memory_space<vmem>>
    %dma_wait3A_141 = tpu.memref_squeeze %dma_wait3A_140 : memref<1x2496xi32, #tpu.memory_space<vmem>> -> memref<2496xi32, #tpu.memory_space<vmem>>
    %dma_wait3A_142 = tpu.memref_slice %arg3[%add3A_40] : memref<640000xi32, #tpu.memory_space<hbm>> -> memref<2496xi32, #tpu.memory_space<hbm>>
    tpu.wait_dma2 semaphore(%arg16 : memref<!tpu.dma_semaphore, #tpu.memory_space<semaphore_mem>>) src(%dma_wait3A_142 : memref<2496xi32, #tpu.memory_space<hbm>>) dst(%dma_wait3A_141 : memref<2496xi32, #tpu.memory_space<vmem>>)
    %dma_wait3A_143 = arith.constant 2 : i32
    %dma_wait3A_144 = arith.constant 0 : i32
    %dma_wait3A_145 = tpu.memref_slice %arg5[%dma_wait3A_143, %dma_wait3A_144] : memref<4x2496xi32, #tpu.memory_space<vmem>> -> memref<1x2496xi32, #tpu.memory_space<vmem>>
    %dma_wait3A_146 = tpu.memref_squeeze %dma_wait3A_145 : memref<1x2496xi32, #tpu.memory_space<vmem>> -> memref<2496xi32, #tpu.memory_space<vmem>>
    %dma_wait3A_147 = tpu.memref_slice %arg3[%add3A_51] : memref<640000xi32, #tpu.memory_space<hbm>> -> memref<2496xi32, #tpu.memory_space<hbm>>
    %dma_wait3A_148 = arith.constant 0 : i32
    %dma_wait3A_149 = tpu.memref_slice %arg5[%dma_wait3A_143, %dma_wait3A_148] : memref<4x2496xi32, #tpu.memory_space<vmem>> -> memref<1x2496xi32, #tpu.memory_space<vmem>>
    %dma_wait3A_150 = tpu.memref_squeeze %dma_wait3A_149 : memref<1x2496xi32, #tpu.memory_space<vmem>> -> memref<2496xi32, #tpu.memory_space<vmem>>
    %dma_wait3A_151 = tpu.memref_slice %arg3[%add3A_51] : memref<640000xi32, #tpu.memory_space<hbm>> -> memref<2496xi32, #tpu.memory_space<hbm>>
    tpu.wait_dma2 semaphore(%arg16 : memref<!tpu.dma_semaphore, #tpu.memory_space<semaphore_mem>>) src(%dma_wait3A_151 : memref<2496xi32, #tpu.memory_space<hbm>>) dst(%dma_wait3A_150 : memref<2496xi32, #tpu.memory_space<vmem>>)
    %dma_wait3A_152 = arith.constant 2 : i32
    %dma_wait3A_153 = arith.constant 0 : i32
    %dma_wait3A_154 = tpu.memref_slice %arg6[%dma_wait3A_152, %dma_wait3A_153] : memref<4x2496xi32, #tpu.memory_space<vmem>> -> memref<1x2496xi32, #tpu.memory_space<vmem>>
    %dma_wait3A_155 = tpu.memref_squeeze %dma_wait3A_154 : memref<1x2496xi32, #tpu.memory_space<vmem>> -> memref<2496xi32, #tpu.memory_space<vmem>>
    %dma_wait3A_156 = tpu.memref_slice %arg3[%add3A_64] : memref<640000xi32, #tpu.memory_space<hbm>> -> memref<2496xi32, #tpu.memory_space<hbm>>
    %dma_wait3A_157 = arith.constant 0 : i32
    %dma_wait3A_158 = tpu.memref_slice %arg6[%dma_wait3A_152, %dma_wait3A_157] : memref<4x2496xi32, #tpu.memory_space<vmem>> -> memref<1x2496xi32, #tpu.memory_space<vmem>>
    %dma_wait3A_159 = tpu.memref_squeeze %dma_wait3A_158 : memref<1x2496xi32, #tpu.memory_space<vmem>> -> memref<2496xi32, #tpu.memory_space<vmem>>
    %dma_wait3A_160 = tpu.memref_slice %arg3[%add3A_64] : memref<640000xi32, #tpu.memory_space<hbm>> -> memref<2496xi32, #tpu.memory_space<hbm>>
    tpu.wait_dma2 semaphore(%arg16 : memref<!tpu.dma_semaphore, #tpu.memory_space<semaphore_mem>>) src(%dma_wait3A_160 : memref<2496xi32, #tpu.memory_space<hbm>>) dst(%dma_wait3A_159 : memref<2496xi32, #tpu.memory_space<vmem>>)
    %dma_wait3A_161 = arith.constant 3 : i32
    %dma_wait3A_162 = arith.constant 0 : i32
    %dma_wait3A_163 = tpu.memref_slice %arg5[%dma_wait3A_161, %dma_wait3A_162] : memref<4x2496xi32, #tpu.memory_space<vmem>> -> memref<1x2496xi32, #tpu.memory_space<vmem>>
    %dma_wait3A_164 = tpu.memref_squeeze %dma_wait3A_163 : memref<1x2496xi32, #tpu.memory_space<vmem>> -> memref<2496xi32, #tpu.memory_space<vmem>>
    %dma_wait3A_165 = tpu.memref_slice %arg3[%add3A_75] : memref<640000xi32, #tpu.memory_space<hbm>> -> memref<2496xi32, #tpu.memory_space<hbm>>
    %dma_wait3A_166 = arith.constant 0 : i32
    %dma_wait3A_167 = tpu.memref_slice %arg5[%dma_wait3A_161, %dma_wait3A_166] : memref<4x2496xi32, #tpu.memory_space<vmem>> -> memref<1x2496xi32, #tpu.memory_space<vmem>>
    %dma_wait3A_168 = tpu.memref_squeeze %dma_wait3A_167 : memref<1x2496xi32, #tpu.memory_space<vmem>> -> memref<2496xi32, #tpu.memory_space<vmem>>
    %dma_wait3A_169 = tpu.memref_slice %arg3[%add3A_75] : memref<640000xi32, #tpu.memory_space<hbm>> -> memref<2496xi32, #tpu.memory_space<hbm>>
    tpu.wait_dma2 semaphore(%arg16 : memref<!tpu.dma_semaphore, #tpu.memory_space<semaphore_mem>>) src(%dma_wait3A_169 : memref<2496xi32, #tpu.memory_space<hbm>>) dst(%dma_wait3A_168 : memref<2496xi32, #tpu.memory_space<vmem>>)
    %dma_wait3A_170 = arith.constant 3 : i32
    %dma_wait3A_171 = arith.constant 0 : i32
    %dma_wait3A_172 = tpu.memref_slice %arg6[%dma_wait3A_170, %dma_wait3A_171] : memref<4x2496xi32, #tpu.memory_space<vmem>> -> memref<1x2496xi32, #tpu.memory_space<vmem>>
    %dma_wait3A_173 = tpu.memref_squeeze %dma_wait3A_172 : memref<1x2496xi32, #tpu.memory_space<vmem>> -> memref<2496xi32, #tpu.memory_space<vmem>>
    %dma_wait3A_174 = tpu.memref_slice %arg3[%add3A_88] : memref<640000xi32, #tpu.memory_space<hbm>> -> memref<2496xi32, #tpu.memory_space<hbm>>
    %dma_wait3A_175 = arith.constant 0 : i32
    %dma_wait3A_176 = tpu.memref_slice %arg6[%dma_wait3A_170, %dma_wait3A_175] : memref<4x2496xi32, #tpu.memory_space<vmem>> -> memref<1x2496xi32, #tpu.memory_space<vmem>>
    %dma_wait3A_177 = tpu.memref_squeeze %dma_wait3A_176 : memref<1x2496xi32, #tpu.memory_space<vmem>> -> memref<2496xi32, #tpu.memory_space<vmem>>
    %dma_wait3A_178 = tpu.memref_slice %arg3[%add3A_88] : memref<640000xi32, #tpu.memory_space<hbm>> -> memref<2496xi32, #tpu.memory_space<hbm>>
    tpu.wait_dma2 semaphore(%arg16 : memref<!tpu.dma_semaphore, #tpu.memory_space<semaphore_mem>>) src(%dma_wait3A_178 : memref<2496xi32, #tpu.memory_space<hbm>>) dst(%dma_wait3A_177 : memref<2496xi32, #tpu.memory_space<vmem>>)
    %dma_wait3A_179 = arith.constant 0 : i32
    %dma_wait3A_180 = tpu.memref_slice %arg12[%mul3A_101, %dma_wait3A_179] : memref<10000x16xf32, #tpu.memory_space<vmem_shared>> -> memref<625x16xf32, #tpu.memory_space<vmem_shared>>
    %dma_wait3A_181 = arith.constant 0 : i32
    %dma_wait3A_182 = tpu.memref_slice %arg2[%mul3A_99, %dma_wait3A_181] : memref<10000x16xf32, #tpu.memory_space<hbm>> -> memref<625x16xf32, #tpu.memory_space<hbm>>
    tpu.wait_dma2 semaphore(%arg16 : memref<!tpu.dma_semaphore, #tpu.memory_space<semaphore_mem>>) src(%dma_wait3A_182 : memref<625x16xf32, #tpu.memory_space<hbm>>) dst(%dma_wait3A_180 : memref<625x16xf32, #tpu.memory_space<vmem_shared>>)
    %mul3A_183 = arith.constant 625 : i32
    %mul3A_184 = arith.muli %arg1, %mul3A_183 : i32
    %add3A_185 = arith.constant 0 : i32
    %add3A_186 = arith.addi %mul3A_184, %add3A_185 : i32
    "tpu.region"() ({
      %run_scoped3A_269 = tpu.sem_alloc : memref<!tpu.dma_semaphore, #tpu.memory_space<semaphore_mem>>
      %dma_start3A_270 = arith.constant 0 : i32
      %dma_start3A_271 = tpu.memref_slice %arg13[%add3A_186, %dma_start3A_270] : memref<10000x16xf32, #tpu.memory_space<vmem_shared>> -> memref<125x16xf32, #tpu.memory_space<vmem_shared>>
      %dma_start3A_272 = arith.constant 0 : i32
      %dma_start3A_273 = tpu.memref_slice %arg13[%add3A_186, %dma_start3A_272] : memref<10000x16xf32, #tpu.memory_space<vmem_shared>> -> memref<125x16xf32, #tpu.memory_space<vmem_shared>>
      tpu.enqueue_dma source(%arg11 : memref<125x16xf32, #tpu.memory_space<vmem>>) target(%dma_start3A_273 : memref<125x16xf32, #tpu.memory_space<vmem_shared>>) target_semaphore(%run_scoped3A_269 : memref<!tpu.dma_semaphore, #tpu.memory_space<semaphore_mem>>)
      %dma_wait3A_274 = arith.constant 0 : i32
      %dma_wait3A_275 = tpu.memref_slice %arg13[%add3A_186, %dma_wait3A_274] : memref<10000x16xf32, #tpu.memory_space<vmem_shared>> -> memref<125x16xf32, #tpu.memory_space<vmem_shared>>
      %dma_wait3A_276 = arith.constant 0 : i32
      %dma_wait3A_277 = tpu.memref_slice %arg13[%add3A_186, %dma_wait3A_276] : memref<10000x16xf32, #tpu.memory_space<vmem_shared>> -> memref<125x16xf32, #tpu.memory_space<vmem_shared>>
      tpu.wait_dma2 semaphore(%run_scoped3A_269 : memref<!tpu.dma_semaphore, #tpu.memory_space<semaphore_mem>>) src(%arg11 : memref<125x16xf32, #tpu.memory_space<vmem>>) dst(%dma_wait3A_277 : memref<125x16xf32, #tpu.memory_space<vmem_shared>>)
      tpu.yield
    }) : () -> ()
    %mul3A_187 = arith.constant 625 : i32
    %mul3A_188 = arith.muli %arg1, %mul3A_187 : i32
    %add3A_189 = arith.constant 125 : i32
    %add3A_190 = arith.addi %mul3A_188, %add3A_189 : i32
    "tpu.region"() ({
      %run_scoped3A_269 = tpu.sem_alloc : memref<!tpu.dma_semaphore, #tpu.memory_space<semaphore_mem>>
      %dma_start3A_270 = arith.constant 0 : i32
      %dma_start3A_271 = tpu.memref_slice %arg13[%add3A_190, %dma_start3A_270] : memref<10000x16xf32, #tpu.memory_space<vmem_shared>> -> memref<125x16xf32, #tpu.memory_space<vmem_shared>>
      %dma_start3A_272 = arith.constant 0 : i32
      %dma_start3A_273 = tpu.memref_slice %arg13[%add3A_190, %dma_start3A_272] : memref<10000x16xf32, #tpu.memory_space<vmem_shared>> -> memref<125x16xf32, #tpu.memory_space<vmem_shared>>
      tpu.enqueue_dma source(%arg11 : memref<125x16xf32, #tpu.memory_space<vmem>>) target(%dma_start3A_273 : memref<125x16xf32, #tpu.memory_space<vmem_shared>>) target_semaphore(%run_scoped3A_269 : memref<!tpu.dma_semaphore, #tpu.memory_space<semaphore_mem>>)
      %dma_wait3A_274 = arith.constant 0 : i32
      %dma_wait3A_275 = tpu.memref_slice %arg13[%add3A_190, %dma_wait3A_274] : memref<10000x16xf32, #tpu.memory_space<vmem_shared>> -> memref<125x16xf32, #tpu.memory_space<vmem_shared>>
      %dma_wait3A_276 = arith.constant 0 : i32
      %dma_wait3A_277 = tpu.memref_slice %arg13[%add3A_190, %dma_wait3A_276] : memref<10000x16xf32, #tpu.memory_space<vmem_shared>> -> memref<125x16xf32, #tpu.memory_space<vmem_shared>>
      tpu.wait_dma2 semaphore(%run_scoped3A_269 : memref<!tpu.dma_semaphore, #tpu.memory_space<semaphore_mem>>) src(%arg11 : memref<125x16xf32, #tpu.memory_space<vmem>>) dst(%dma_wait3A_277 : memref<125x16xf32, #tpu.memory_space<vmem_shared>>)
      tpu.yield
    }) : () -> ()
    %mul3A_191 = arith.constant 625 : i32
    %mul3A_192 = arith.muli %arg1, %mul3A_191 : i32
    %add3A_193 = arith.constant 250 : i32
    %add3A_194 = arith.addi %mul3A_192, %add3A_193 : i32
    "tpu.region"() ({
      %run_scoped3A_269 = tpu.sem_alloc : memref<!tpu.dma_semaphore, #tpu.memory_space<semaphore_mem>>
      %dma_start3A_270 = arith.constant 0 : i32
      %dma_start3A_271 = tpu.memref_slice %arg13[%add3A_194, %dma_start3A_270] : memref<10000x16xf32, #tpu.memory_space<vmem_shared>> -> memref<125x16xf32, #tpu.memory_space<vmem_shared>>
      %dma_start3A_272 = arith.constant 0 : i32
      %dma_start3A_273 = tpu.memref_slice %arg13[%add3A_194, %dma_start3A_272] : memref<10000x16xf32, #tpu.memory_space<vmem_shared>> -> memref<125x16xf32, #tpu.memory_space<vmem_shared>>
      tpu.enqueue_dma source(%arg11 : memref<125x16xf32, #tpu.memory_space<vmem>>) target(%dma_start3A_273 : memref<125x16xf32, #tpu.memory_space<vmem_shared>>) target_semaphore(%run_scoped3A_269 : memref<!tpu.dma_semaphore, #tpu.memory_space<semaphore_mem>>)
      %dma_wait3A_274 = arith.constant 0 : i32
      %dma_wait3A_275 = tpu.memref_slice %arg13[%add3A_194, %dma_wait3A_274] : memref<10000x16xf32, #tpu.memory_space<vmem_shared>> -> memref<125x16xf32, #tpu.memory_space<vmem_shared>>
      %dma_wait3A_276 = arith.constant 0 : i32
      %dma_wait3A_277 = tpu.memref_slice %arg13[%add3A_194, %dma_wait3A_276] : memref<10000x16xf32, #tpu.memory_space<vmem_shared>> -> memref<125x16xf32, #tpu.memory_space<vmem_shared>>
      tpu.wait_dma2 semaphore(%run_scoped3A_269 : memref<!tpu.dma_semaphore, #tpu.memory_space<semaphore_mem>>) src(%arg11 : memref<125x16xf32, #tpu.memory_space<vmem>>) dst(%dma_wait3A_277 : memref<125x16xf32, #tpu.memory_space<vmem_shared>>)
      tpu.yield
    }) : () -> ()
    %mul3A_195 = arith.constant 625 : i32
    %mul3A_196 = arith.muli %arg1, %mul3A_195 : i32
    %add3A_197 = arith.constant 375 : i32
    %add3A_198 = arith.addi %mul3A_196, %add3A_197 : i32
    "tpu.region"() ({
      %run_scoped3A_269 = tpu.sem_alloc : memref<!tpu.dma_semaphore, #tpu.memory_space<semaphore_mem>>
      %dma_start3A_270 = arith.constant 0 : i32
      %dma_start3A_271 = tpu.memref_slice %arg13[%add3A_198, %dma_start3A_270] : memref<10000x16xf32, #tpu.memory_space<vmem_shared>> -> memref<125x16xf32, #tpu.memory_space<vmem_shared>>
      %dma_start3A_272 = arith.constant 0 : i32
      %dma_start3A_273 = tpu.memref_slice %arg13[%add3A_198, %dma_start3A_272] : memref<10000x16xf32, #tpu.memory_space<vmem_shared>> -> memref<125x16xf32, #tpu.memory_space<vmem_shared>>
      tpu.enqueue_dma source(%arg11 : memref<125x16xf32, #tpu.memory_space<vmem>>) target(%dma_start3A_273 : memref<125x16xf32, #tpu.memory_space<vmem_shared>>) target_semaphore(%run_scoped3A_269 : memref<!tpu.dma_semaphore, #tpu.memory_space<semaphore_mem>>)
      %dma_wait3A_274 = arith.constant 0 : i32
      %dma_wait3A_275 = tpu.memref_slice %arg13[%add3A_198, %dma_wait3A_274] : memref<10000x16xf32, #tpu.memory_space<vmem_shared>> -> memref<125x16xf32, #tpu.memory_space<vmem_shared>>
      %dma_wait3A_276 = arith.constant 0 : i32
      %dma_wait3A_277 = tpu.memref_slice %arg13[%add3A_198, %dma_wait3A_276] : memref<10000x16xf32, #tpu.memory_space<vmem_shared>> -> memref<125x16xf32, #tpu.memory_space<vmem_shared>>
      tpu.wait_dma2 semaphore(%run_scoped3A_269 : memref<!tpu.dma_semaphore, #tpu.memory_space<semaphore_mem>>) src(%arg11 : memref<125x16xf32, #tpu.memory_space<vmem>>) dst(%dma_wait3A_277 : memref<125x16xf32, #tpu.memory_space<vmem_shared>>)
      tpu.yield
    }) : () -> ()
    %mul3A_199 = arith.constant 625 : i32
    %mul3A_200 = arith.muli %arg1, %mul3A_199 : i32
    %add3A_201 = arith.constant 500 : i32
    %add3A_202 = arith.addi %mul3A_200, %add3A_201 : i32
    "tpu.region"() ({
      %run_scoped3A_269 = tpu.sem_alloc : memref<!tpu.dma_semaphore, #tpu.memory_space<semaphore_mem>>
      %dma_start3A_270 = arith.constant 0 : i32
      %dma_start3A_271 = tpu.memref_slice %arg13[%add3A_202, %dma_start3A_270] : memref<10000x16xf32, #tpu.memory_space<vmem_shared>> -> memref<125x16xf32, #tpu.memory_space<vmem_shared>>
      %dma_start3A_272 = arith.constant 0 : i32
      %dma_start3A_273 = tpu.memref_slice %arg13[%add3A_202, %dma_start3A_272] : memref<10000x16xf32, #tpu.memory_space<vmem_shared>> -> memref<125x16xf32, #tpu.memory_space<vmem_shared>>
      tpu.enqueue_dma source(%arg11 : memref<125x16xf32, #tpu.memory_space<vmem>>) target(%dma_start3A_273 : memref<125x16xf32, #tpu.memory_space<vmem_shared>>) target_semaphore(%run_scoped3A_269 : memref<!tpu.dma_semaphore, #tpu.memory_space<semaphore_mem>>)
      %dma_wait3A_274 = arith.constant 0 : i32
      %dma_wait3A_275 = tpu.memref_slice %arg13[%add3A_202, %dma_wait3A_274] : memref<10000x16xf32, #tpu.memory_space<vmem_shared>> -> memref<125x16xf32, #tpu.memory_space<vmem_shared>>
      %dma_wait3A_276 = arith.constant 0 : i32
      %dma_wait3A_277 = tpu.memref_slice %arg13[%add3A_202, %dma_wait3A_276] : memref<10000x16xf32, #tpu.memory_space<vmem_shared>> -> memref<125x16xf32, #tpu.memory_space<vmem_shared>>
      tpu.wait_dma2 semaphore(%run_scoped3A_269 : memref<!tpu.dma_semaphore, #tpu.memory_space<semaphore_mem>>) src(%arg11 : memref<125x16xf32, #tpu.memory_space<vmem>>) dst(%dma_wait3A_277 : memref<125x16xf32, #tpu.memory_space<vmem_shared>>)
      tpu.yield
    }) : () -> ()
    %barrier3A = arith.constant 0 : index
    tpu.barrier barrier_id(%barrier3A)
    %lt3A = arith.constant 4 : i32
    %lt3A_203 = arith.cmpi slt, %add3A, %lt3A : i32
    %convert_element_type3A = arith.extui %lt3A_203 : i1 to i32
    %cond3A = arith.constant 0 : i32
    %cond3A_204 = arith.cmpi ne, %convert_element_type3A, %cond3A : i32
    scf.if %cond3A_204 {
      %mul3A_269 = arith.constant 128 : i32
      %mul3A_270 = arith.muli %add3A, %mul3A_269 : i32
      %add3A_271 = arith.constant 319488 : i32
      %add3A_272 = arith.addi %add3A_271, %mul3A_270 : i32
      %run_scoped3A_273 = arith.constant 0 : i32
      "tpu.region"() ({
        %run_scoped3A_292 = tpu.sem_alloc : memref<!tpu.dma_semaphore, #tpu.memory_space<semaphore_mem>>
        %dma_start3A_293 = arith.constant 0 : i32
        %dma_start3A_294 = tpu.memref_slice %arg7[%run_scoped3A_273, %dma_start3A_293] : memref<2x128xi32, #tpu.memory_space<vmem>> -> memref<1x128xi32, #tpu.memory_space<vmem>>
        %dma_start3A_295 = tpu.memref_squeeze %dma_start3A_294 : memref<1x128xi32, #tpu.memory_space<vmem>> -> memref<128xi32, #tpu.memory_space<vmem>>
        %dma_start3A_296 = tpu.memref_slice %arg3[%add3A_272] : memref<640000xi32, #tpu.memory_space<hbm>> -> memref<128xi32, #tpu.memory_space<hbm>>
        %dma_start3A_297 = arith.constant 0 : i32
        %dma_start3A_298 = tpu.memref_slice %arg7[%run_scoped3A_273, %dma_start3A_297] : memref<2x128xi32, #tpu.memory_space<vmem>> -> memref<1x128xi32, #tpu.memory_space<vmem>>
        %dma_start3A_299 = tpu.memref_squeeze %dma_start3A_298 : memref<1x128xi32, #tpu.memory_space<vmem>> -> memref<128xi32, #tpu.memory_space<vmem>>
        %dma_start3A_300 = tpu.memref_slice %arg3[%add3A_272] : memref<640000xi32, #tpu.memory_space<hbm>> -> memref<128xi32, #tpu.memory_space<hbm>>
        tpu.enqueue_dma source(%dma_start3A_300 : memref<128xi32, #tpu.memory_space<hbm>>) target(%dma_start3A_299 : memref<128xi32, #tpu.memory_space<vmem>>) target_semaphore(%run_scoped3A_292 : memref<!tpu.dma_semaphore, #tpu.memory_space<semaphore_mem>>)
        %dma_wait3A_301 = arith.constant 0 : i32
        %dma_wait3A_302 = tpu.memref_slice %arg7[%run_scoped3A_273, %dma_wait3A_301] : memref<2x128xi32, #tpu.memory_space<vmem>> -> memref<1x128xi32, #tpu.memory_space<vmem>>
        %dma_wait3A_303 = tpu.memref_squeeze %dma_wait3A_302 : memref<1x128xi32, #tpu.memory_space<vmem>> -> memref<128xi32, #tpu.memory_space<vmem>>
        %dma_wait3A_304 = tpu.memref_slice %arg3[%add3A_272] : memref<640000xi32, #tpu.memory_space<hbm>> -> memref<128xi32, #tpu.memory_space<hbm>>
        %dma_wait3A_305 = arith.constant 0 : i32
        %dma_wait3A_306 = tpu.memref_slice %arg7[%run_scoped3A_273, %dma_wait3A_305] : memref<2x128xi32, #tpu.memory_space<vmem>> -> memref<1x128xi32, #tpu.memory_space<vmem>>
        %dma_wait3A_307 = tpu.memref_squeeze %dma_wait3A_306 : memref<1x128xi32, #tpu.memory_space<vmem>> -> memref<128xi32, #tpu.memory_space<vmem>>
        %dma_wait3A_308 = tpu.memref_slice %arg3[%add3A_272] : memref<640000xi32, #tpu.memory_space<hbm>> -> memref<128xi32, #tpu.memory_space<hbm>>
        tpu.wait_dma2 semaphore(%run_scoped3A_292 : memref<!tpu.dma_semaphore, #tpu.memory_space<semaphore_mem>>) src(%dma_wait3A_308 : memref<128xi32, #tpu.memory_space<hbm>>) dst(%dma_wait3A_307 : memref<128xi32, #tpu.memory_space<vmem>>)
        tpu.yield
      }) : () -> ()
      %add3A_274 = arith.constant 320000 : i32
      %add3A_275 = arith.addi %add3A_274, %add3A_272 : i32
      %run_scoped3A_276 = arith.constant 1 : i32
      "tpu.region"() ({
        %run_scoped3A_292 = tpu.sem_alloc : memref<!tpu.dma_semaphore, #tpu.memory_space<semaphore_mem>>
        %dma_start3A_293 = arith.constant 0 : i32
        %dma_start3A_294 = tpu.memref_slice %arg7[%run_scoped3A_276, %dma_start3A_293] : memref<2x128xi32, #tpu.memory_space<vmem>> -> memref<1x128xi32, #tpu.memory_space<vmem>>
        %dma_start3A_295 = tpu.memref_squeeze %dma_start3A_294 : memref<1x128xi32, #tpu.memory_space<vmem>> -> memref<128xi32, #tpu.memory_space<vmem>>
        %dma_start3A_296 = tpu.memref_slice %arg3[%add3A_275] : memref<640000xi32, #tpu.memory_space<hbm>> -> memref<128xi32, #tpu.memory_space<hbm>>
        %dma_start3A_297 = arith.constant 0 : i32
        %dma_start3A_298 = tpu.memref_slice %arg7[%run_scoped3A_276, %dma_start3A_297] : memref<2x128xi32, #tpu.memory_space<vmem>> -> memref<1x128xi32, #tpu.memory_space<vmem>>
        %dma_start3A_299 = tpu.memref_squeeze %dma_start3A_298 : memref<1x128xi32, #tpu.memory_space<vmem>> -> memref<128xi32, #tpu.memory_space<vmem>>
        %dma_start3A_300 = tpu.memref_slice %arg3[%add3A_275] : memref<640000xi32, #tpu.memory_space<hbm>> -> memref<128xi32, #tpu.memory_space<hbm>>
        tpu.enqueue_dma source(%dma_start3A_300 : memref<128xi32, #tpu.memory_space<hbm>>) target(%dma_start3A_299 : memref<128xi32, #tpu.memory_space<vmem>>) target_semaphore(%run_scoped3A_292 : memref<!tpu.dma_semaphore, #tpu.memory_space<semaphore_mem>>)
        %dma_wait3A_301 = arith.constant 0 : i32
        %dma_wait3A_302 = tpu.memref_slice %arg7[%run_scoped3A_276, %dma_wait3A_301] : memref<2x128xi32, #tpu.memory_space<vmem>> -> memref<1x128xi32, #tpu.memory_space<vmem>>
        %dma_wait3A_303 = tpu.memref_squeeze %dma_wait3A_302 : memref<1x128xi32, #tpu.memory_space<vmem>> -> memref<128xi32, #tpu.memory_space<vmem>>
        %dma_wait3A_304 = tpu.memref_slice %arg3[%add3A_275] : memref<640000xi32, #tpu.memory_space<hbm>> -> memref<128xi32, #tpu.memory_space<hbm>>
        %dma_wait3A_305 = arith.constant 0 : i32
        %dma_wait3A_306 = tpu.memref_slice %arg7[%run_scoped3A_276, %dma_wait3A_305] : memref<2x128xi32, #tpu.memory_space<vmem>> -> memref<1x128xi32, #tpu.memory_space<vmem>>
        %dma_wait3A_307 = tpu.memref_squeeze %dma_wait3A_306 : memref<1x128xi32, #tpu.memory_space<vmem>> -> memref<128xi32, #tpu.memory_space<vmem>>
        %dma_wait3A_308 = tpu.memref_slice %arg3[%add3A_275] : memref<640000xi32, #tpu.memory_space<hbm>> -> memref<128xi32, #tpu.memory_space<hbm>>
        tpu.wait_dma2 semaphore(%run_scoped3A_292 : memref<!tpu.dma_semaphore, #tpu.memory_space<semaphore_mem>>) src(%dma_wait3A_308 : memref<128xi32, #tpu.memory_space<hbm>>) dst(%dma_wait3A_307 : memref<128xi32, #tpu.memory_space<vmem>>)
        tpu.yield
      }) : () -> ()
      %dma_start3A_277 = arith.constant 0 : i32
      %dma_start3A_278 = arith.constant 0 : i32
      %dma_start3A_279 = tpu.memref_slice %arg7[%dma_start3A_277, %dma_start3A_278] : memref<2x128xi32, #tpu.memory_space<vmem>> -> memref<1x128xi32, #tpu.memory_space<vmem>>
      %dma_start3A_280 = tpu.memref_squeeze %dma_start3A_279 : memref<1x128xi32, #tpu.memory_space<vmem>> -> memref<128xi32, #tpu.memory_space<vmem>>
      %dma_start3A_281 = arith.constant 0 : i32
      %dma_start3A_282 = arith.constant 0 : i32
      %dma_start3A_283 = tpu.memref_slice %arg12[%dma_start3A_281, %dma_start3A_282] : memref<10000x16xf32, #tpu.memory_space<vmem_shared>> -> memref<10000x16xf32, #tpu.memory_space<vmem_shared>>
      tpu.enqueue_indirect_dma source(%dma_start3A_283 : memref<10000x16xf32, #tpu.memory_space<vmem_shared>>) target(%arg10 : memref<128x16xf32, #tpu.memory_space<vmem>>) offsets(%dma_start3A_280 : memref<128xi32, #tpu.memory_space<vmem>>) semaphore(%arg17 : memref<!tpu.dma_semaphore, #tpu.memory_space<semaphore_mem>>)
      %dma_wait3A_284 = arith.constant 0 : i32
      %dma_wait3A_285 = arith.constant 0 : i32
      %dma_wait3A_286 = tpu.memref_slice %arg7[%dma_wait3A_284, %dma_wait3A_285] : memref<2x128xi32, #tpu.memory_space<vmem>> -> memref<1x128xi32, #tpu.memory_space<vmem>>
      %dma_wait3A_287 = tpu.memref_squeeze %dma_wait3A_286 : memref<1x128xi32, #tpu.memory_space<vmem>> -> memref<128xi32, #tpu.memory_space<vmem>>
      %dma_wait3A_288 = arith.constant 0 : i32
      %dma_wait3A_289 = arith.constant 0 : i32
      %dma_wait3A_290 = tpu.memref_slice %arg12[%dma_wait3A_288, %dma_wait3A_289] : memref<10000x16xf32, #tpu.memory_space<vmem_shared>> -> memref<10000x16xf32, #tpu.memory_space<vmem_shared>>
      tpu.wait_indirect_dma semaphore(%arg17 : memref<!tpu.dma_semaphore, #tpu.memory_space<semaphore_mem>>) src(%dma_wait3A_290 : memref<10000x16xf32, #tpu.memory_space<vmem_shared>>) dst(%arg10 : memref<128x16xf32, #tpu.memory_space<vmem>>)
      %run_scoped3A_291 = arith.constant 1 : i32
      "tpu.region"() ({
        %run_scoped3A_292 = tpu.sem_alloc : memref<!tpu.dma_semaphore, #tpu.memory_space<semaphore_mem>>
        %dma_start3A_293 = arith.constant 0 : i32
        %dma_start3A_294 = tpu.memref_slice %arg7[%run_scoped3A_291, %dma_start3A_293] : memref<2x128xi32, #tpu.memory_space<vmem>> -> memref<1x128xi32, #tpu.memory_space<vmem>>
        %dma_start3A_295 = tpu.memref_squeeze %dma_start3A_294 : memref<1x128xi32, #tpu.memory_space<vmem>> -> memref<128xi32, #tpu.memory_space<vmem>>
        %dma_start3A_296 = arith.constant 0 : i32
        %dma_start3A_297 = arith.constant 0 : i32
        %dma_start3A_298 = tpu.memref_slice %arg13[%dma_start3A_296, %dma_start3A_297] : memref<10000x16xf32, #tpu.memory_space<vmem_shared>> -> memref<10000x16xf32, #tpu.memory_space<vmem_shared>>
        tpu.enqueue_indirect_dma source(%arg10 : memref<128x16xf32, #tpu.memory_space<vmem>>) target(%dma_start3A_298 : memref<10000x16xf32, #tpu.memory_space<vmem_shared>>) offsets(%dma_start3A_295 : memref<128xi32, #tpu.memory_space<vmem>>) semaphore(%run_scoped3A_292 : memref<!tpu.dma_semaphore, #tpu.memory_space<semaphore_mem>>) {add = true}
        %dma_wait3A_299 = arith.constant 0 : i32
        %dma_wait3A_300 = tpu.memref_slice %arg7[%run_scoped3A_291, %dma_wait3A_299] : memref<2x128xi32, #tpu.memory_space<vmem>> -> memref<1x128xi32, #tpu.memory_space<vmem>>
        %dma_wait3A_301 = tpu.memref_squeeze %dma_wait3A_300 : memref<1x128xi32, #tpu.memory_space<vmem>> -> memref<128xi32, #tpu.memory_space<vmem>>
        %dma_wait3A_302 = arith.constant 0 : i32
        %dma_wait3A_303 = arith.constant 0 : i32
        %dma_wait3A_304 = tpu.memref_slice %arg13[%dma_wait3A_302, %dma_wait3A_303] : memref<10000x16xf32, #tpu.memory_space<vmem_shared>> -> memref<10000x16xf32, #tpu.memory_space<vmem_shared>>
        tpu.wait_indirect_dma semaphore(%run_scoped3A_292 : memref<!tpu.dma_semaphore, #tpu.memory_space<semaphore_mem>>) src(%arg10 : memref<128x16xf32, #tpu.memory_space<vmem>>) dst(%dma_wait3A_304 : memref<10000x16xf32, #tpu.memory_space<vmem_shared>>)
        tpu.yield
      }) : () -> ()
    } else {
    }
    %dma_start3A_205 = arith.constant 0 : i32
    %dma_start3A_206 = arith.constant 0 : i32
    %dma_start3A_207 = tpu.memref_slice %arg5[%dma_start3A_205, %dma_start3A_206] : memref<4x2496xi32, #tpu.memory_space<vmem>> -> memref<1x2496xi32, #tpu.memory_space<vmem>>
    %dma_start3A_208 = tpu.memref_squeeze %dma_start3A_207 : memref<1x2496xi32, #tpu.memory_space<vmem>> -> memref<2496xi32, #tpu.memory_space<vmem>>
    %dma_start3A_209 = arith.constant 0 : i32
    %dma_start3A_210 = arith.constant 0 : i32
    %dma_start3A_211 = tpu.memref_slice %arg12[%dma_start3A_209, %dma_start3A_210] : memref<10000x16xf32, #tpu.memory_space<vmem_shared>> -> memref<10000x16xf32, #tpu.memory_space<vmem_shared>>
    tpu.enqueue_indirect_dma source(%dma_start3A_211 : memref<10000x16xf32, #tpu.memory_space<vmem_shared>>) target(%arg8 : memref<2496x16xf32, #tpu.memory_space<vmem>>) offsets(%dma_start3A_208 : memref<2496xi32, #tpu.memory_space<vmem>>) semaphore(%arg14 : memref<!tpu.dma_semaphore, #tpu.memory_space<semaphore_mem>>)
    %dma_start3A_212 = arith.constant 1 : i32
    %dma_start3A_213 = arith.constant 0 : i32
    %dma_start3A_214 = tpu.memref_slice %arg5[%dma_start3A_212, %dma_start3A_213] : memref<4x2496xi32, #tpu.memory_space<vmem>> -> memref<1x2496xi32, #tpu.memory_space<vmem>>
    %dma_start3A_215 = tpu.memref_squeeze %dma_start3A_214 : memref<1x2496xi32, #tpu.memory_space<vmem>> -> memref<2496xi32, #tpu.memory_space<vmem>>
    %dma_start3A_216 = arith.constant 0 : i32
    %dma_start3A_217 = arith.constant 0 : i32
    %dma_start3A_218 = tpu.memref_slice %arg12[%dma_start3A_216, %dma_start3A_217] : memref<10000x16xf32, #tpu.memory_space<vmem_shared>> -> memref<10000x16xf32, #tpu.memory_space<vmem_shared>>
    tpu.enqueue_indirect_dma source(%dma_start3A_218 : memref<10000x16xf32, #tpu.memory_space<vmem_shared>>) target(%arg9 : memref<2496x16xf32, #tpu.memory_space<vmem>>) offsets(%dma_start3A_215 : memref<2496xi32, #tpu.memory_space<vmem>>) semaphore(%arg15 : memref<!tpu.dma_semaphore, #tpu.memory_space<semaphore_mem>>)
    %dma_wait3A_219 = arith.constant 0 : i32
    %dma_wait3A_220 = arith.constant 0 : i32
    %dma_wait3A_221 = tpu.memref_slice %arg5[%dma_wait3A_219, %dma_wait3A_220] : memref<4x2496xi32, #tpu.memory_space<vmem>> -> memref<1x2496xi32, #tpu.memory_space<vmem>>
    %dma_wait3A_222 = tpu.memref_squeeze %dma_wait3A_221 : memref<1x2496xi32, #tpu.memory_space<vmem>> -> memref<2496xi32, #tpu.memory_space<vmem>>
    %dma_wait3A_223 = arith.constant 0 : i32
    %dma_wait3A_224 = arith.constant 0 : i32
    %dma_wait3A_225 = tpu.memref_slice %arg12[%dma_wait3A_223, %dma_wait3A_224] : memref<10000x16xf32, #tpu.memory_space<vmem_shared>> -> memref<10000x16xf32, #tpu.memory_space<vmem_shared>>
    tpu.wait_indirect_dma semaphore(%arg14 : memref<!tpu.dma_semaphore, #tpu.memory_space<semaphore_mem>>) src(%dma_wait3A_225 : memref<10000x16xf32, #tpu.memory_space<vmem_shared>>) dst(%arg8 : memref<2496x16xf32, #tpu.memory_space<vmem>>)
    %run_scoped3A = arith.constant 0 : i32
    "tpu.region"() ({
      %run_scoped3A_269 = tpu.sem_alloc : memref<!tpu.dma_semaphore, #tpu.memory_space<semaphore_mem>>
      %dma_start3A_270 = arith.constant 0 : i32
      %dma_start3A_271 = tpu.memref_slice %arg6[%run_scoped3A, %dma_start3A_270] : memref<4x2496xi32, #tpu.memory_space<vmem>> -> memref<1x2496xi32, #tpu.memory_space<vmem>>
      %dma_start3A_272 = tpu.memref_squeeze %dma_start3A_271 : memref<1x2496xi32, #tpu.memory_space<vmem>> -> memref<2496xi32, #tpu.memory_space<vmem>>
      %dma_start3A_273 = arith.constant 0 : i32
      %dma_start3A_274 = arith.constant 0 : i32
      %dma_start3A_275 = tpu.memref_slice %arg13[%dma_start3A_273, %dma_start3A_274] : memref<10000x16xf32, #tpu.memory_space<vmem_shared>> -> memref<10000x16xf32, #tpu.memory_space<vmem_shared>>
      tpu.enqueue_indirect_dma source(%arg8 : memref<2496x16xf32, #tpu.memory_space<vmem>>) target(%dma_start3A_275 : memref<10000x16xf32, #tpu.memory_space<vmem_shared>>) offsets(%dma_start3A_272 : memref<2496xi32, #tpu.memory_space<vmem>>) semaphore(%run_scoped3A_269 : memref<!tpu.dma_semaphore, #tpu.memory_space<semaphore_mem>>) {add = true}
      %dma_wait3A_276 = arith.constant 0 : i32
      %dma_wait3A_277 = tpu.memref_slice %arg6[%run_scoped3A, %dma_wait3A_276] : memref<4x2496xi32, #tpu.memory_space<vmem>> -> memref<1x2496xi32, #tpu.memory_space<vmem>>
      %dma_wait3A_278 = tpu.memref_squeeze %dma_wait3A_277 : memref<1x2496xi32, #tpu.memory_space<vmem>> -> memref<2496xi32, #tpu.memory_space<vmem>>
      %dma_wait3A_279 = arith.constant 0 : i32
      %dma_wait3A_280 = arith.constant 0 : i32
      %dma_wait3A_281 = tpu.memref_slice %arg13[%dma_wait3A_279, %dma_wait3A_280] : memref<10000x16xf32, #tpu.memory_space<vmem_shared>> -> memref<10000x16xf32, #tpu.memory_space<vmem_shared>>
      tpu.wait_indirect_dma semaphore(%run_scoped3A_269 : memref<!tpu.dma_semaphore, #tpu.memory_space<semaphore_mem>>) src(%arg8 : memref<2496x16xf32, #tpu.memory_space<vmem>>) dst(%dma_wait3A_281 : memref<10000x16xf32, #tpu.memory_space<vmem_shared>>)
      tpu.yield
    }) : () -> ()
    %dma_start3A_226 = arith.constant 2 : i32
    %dma_start3A_227 = arith.constant 0 : i32
    %dma_start3A_228 = tpu.memref_slice %arg5[%dma_start3A_226, %dma_start3A_227] : memref<4x2496xi32, #tpu.memory_space<vmem>> -> memref<1x2496xi32, #tpu.memory_space<vmem>>
    %dma_start3A_229 = tpu.memref_squeeze %dma_start3A_228 : memref<1x2496xi32, #tpu.memory_space<vmem>> -> memref<2496xi32, #tpu.memory_space<vmem>>
    %dma_start3A_230 = arith.constant 0 : i32
    %dma_start3A_231 = arith.constant 0 : i32
    %dma_start3A_232 = tpu.memref_slice %arg12[%dma_start3A_230, %dma_start3A_231] : memref<10000x16xf32, #tpu.memory_space<vmem_shared>> -> memref<10000x16xf32, #tpu.memory_space<vmem_shared>>
    tpu.enqueue_indirect_dma source(%dma_start3A_232 : memref<10000x16xf32, #tpu.memory_space<vmem_shared>>) target(%arg8 : memref<2496x16xf32, #tpu.memory_space<vmem>>) offsets(%dma_start3A_229 : memref<2496xi32, #tpu.memory_space<vmem>>) semaphore(%arg14 : memref<!tpu.dma_semaphore, #tpu.memory_space<semaphore_mem>>)
    %dma_wait3A_233 = arith.constant 1 : i32
    %dma_wait3A_234 = arith.constant 0 : i32
    %dma_wait3A_235 = tpu.memref_slice %arg5[%dma_wait3A_233, %dma_wait3A_234] : memref<4x2496xi32, #tpu.memory_space<vmem>> -> memref<1x2496xi32, #tpu.memory_space<vmem>>
    %dma_wait3A_236 = tpu.memref_squeeze %dma_wait3A_235 : memref<1x2496xi32, #tpu.memory_space<vmem>> -> memref<2496xi32, #tpu.memory_space<vmem>>
    %dma_wait3A_237 = arith.constant 0 : i32
    %dma_wait3A_238 = arith.constant 0 : i32
    %dma_wait3A_239 = tpu.memref_slice %arg12[%dma_wait3A_237, %dma_wait3A_238] : memref<10000x16xf32, #tpu.memory_space<vmem_shared>> -> memref<10000x16xf32, #tpu.memory_space<vmem_shared>>
    tpu.wait_indirect_dma semaphore(%arg15 : memref<!tpu.dma_semaphore, #tpu.memory_space<semaphore_mem>>) src(%dma_wait3A_239 : memref<10000x16xf32, #tpu.memory_space<vmem_shared>>) dst(%arg9 : memref<2496x16xf32, #tpu.memory_space<vmem>>)
    %run_scoped3A_240 = arith.constant 1 : i32
    "tpu.region"() ({
      %run_scoped3A_269 = tpu.sem_alloc : memref<!tpu.dma_semaphore, #tpu.memory_space<semaphore_mem>>
      %dma_start3A_270 = arith.constant 0 : i32
      %dma_start3A_271 = tpu.memref_slice %arg6[%run_scoped3A_240, %dma_start3A_270] : memref<4x2496xi32, #tpu.memory_space<vmem>> -> memref<1x2496xi32, #tpu.memory_space<vmem>>
      %dma_start3A_272 = tpu.memref_squeeze %dma_start3A_271 : memref<1x2496xi32, #tpu.memory_space<vmem>> -> memref<2496xi32, #tpu.memory_space<vmem>>
      %dma_start3A_273 = arith.constant 0 : i32
      %dma_start3A_274 = arith.constant 0 : i32
      %dma_start3A_275 = tpu.memref_slice %arg13[%dma_start3A_273, %dma_start3A_274] : memref<10000x16xf32, #tpu.memory_space<vmem_shared>> -> memref<10000x16xf32, #tpu.memory_space<vmem_shared>>
      tpu.enqueue_indirect_dma source(%arg9 : memref<2496x16xf32, #tpu.memory_space<vmem>>) target(%dma_start3A_275 : memref<10000x16xf32, #tpu.memory_space<vmem_shared>>) offsets(%dma_start3A_272 : memref<2496xi32, #tpu.memory_space<vmem>>) semaphore(%run_scoped3A_269 : memref<!tpu.dma_semaphore, #tpu.memory_space<semaphore_mem>>) {add = true}
      %dma_wait3A_276 = arith.constant 0 : i32
      %dma_wait3A_277 = tpu.memref_slice %arg6[%run_scoped3A_240, %dma_wait3A_276] : memref<4x2496xi32, #tpu.memory_space<vmem>> -> memref<1x2496xi32, #tpu.memory_space<vmem>>
      %dma_wait3A_278 = tpu.memref_squeeze %dma_wait3A_277 : memref<1x2496xi32, #tpu.memory_space<vmem>> -> memref<2496xi32, #tpu.memory_space<vmem>>
      %dma_wait3A_279 = arith.constant 0 : i32
      %dma_wait3A_280 = arith.constant 0 : i32
      %dma_wait3A_281 = tpu.memref_slice %arg13[%dma_wait3A_279, %dma_wait3A_280] : memref<10000x16xf32, #tpu.memory_space<vmem_shared>> -> memref<10000x16xf32, #tpu.memory_space<vmem_shared>>
      tpu.wait_indirect_dma semaphore(%run_scoped3A_269 : memref<!tpu.dma_semaphore, #tpu.memory_space<semaphore_mem>>) src(%arg9 : memref<2496x16xf32, #tpu.memory_space<vmem>>) dst(%dma_wait3A_281 : memref<10000x16xf32, #tpu.memory_space<vmem_shared>>)
      tpu.yield
    }) : () -> ()
    %dma_start3A_241 = arith.constant 3 : i32
    %dma_start3A_242 = arith.constant 0 : i32
    %dma_start3A_243 = tpu.memref_slice %arg5[%dma_start3A_241, %dma_start3A_242] : memref<4x2496xi32, #tpu.memory_space<vmem>> -> memref<1x2496xi32, #tpu.memory_space<vmem>>
    %dma_start3A_244 = tpu.memref_squeeze %dma_start3A_243 : memref<1x2496xi32, #tpu.memory_space<vmem>> -> memref<2496xi32, #tpu.memory_space<vmem>>
    %dma_start3A_245 = arith.constant 0 : i32
    %dma_start3A_246 = arith.constant 0 : i32
    %dma_start3A_247 = tpu.memref_slice %arg12[%dma_start3A_245, %dma_start3A_246] : memref<10000x16xf32, #tpu.memory_space<vmem_shared>> -> memref<10000x16xf32, #tpu.memory_space<vmem_shared>>
    tpu.enqueue_indirect_dma source(%dma_start3A_247 : memref<10000x16xf32, #tpu.memory_space<vmem_shared>>) target(%arg9 : memref<2496x16xf32, #tpu.memory_space<vmem>>) offsets(%dma_start3A_244 : memref<2496xi32, #tpu.memory_space<vmem>>) semaphore(%arg15 : memref<!tpu.dma_semaphore, #tpu.memory_space<semaphore_mem>>)
    %dma_wait3A_248 = arith.constant 2 : i32
    %dma_wait3A_249 = arith.constant 0 : i32
    %dma_wait3A_250 = tpu.memref_slice %arg5[%dma_wait3A_248, %dma_wait3A_249] : memref<4x2496xi32, #tpu.memory_space<vmem>> -> memref<1x2496xi32, #tpu.memory_space<vmem>>
    %dma_wait3A_251 = tpu.memref_squeeze %dma_wait3A_250 : memref<1x2496xi32, #tpu.memory_space<vmem>> -> memref<2496xi32, #tpu.memory_space<vmem>>
    %dma_wait3A_252 = arith.constant 0 : i32
    %dma_wait3A_253 = arith.constant 0 : i32
    %dma_wait3A_254 = tpu.memref_slice %arg12[%dma_wait3A_252, %dma_wait3A_253] : memref<10000x16xf32, #tpu.memory_space<vmem_shared>> -> memref<10000x16xf32, #tpu.memory_space<vmem_shared>>
    tpu.wait_indirect_dma semaphore(%arg14 : memref<!tpu.dma_semaphore, #tpu.memory_space<semaphore_mem>>) src(%dma_wait3A_254 : memref<10000x16xf32, #tpu.memory_space<vmem_shared>>) dst(%arg8 : memref<2496x16xf32, #tpu.memory_space<vmem>>)
    %run_scoped3A_255 = arith.constant 2 : i32
    "tpu.region"() ({
      %run_scoped3A_269 = tpu.sem_alloc : memref<!tpu.dma_semaphore, #tpu.memory_space<semaphore_mem>>
      %dma_start3A_270 = arith.constant 0 : i32
      %dma_start3A_271 = tpu.memref_slice %arg6[%run_scoped3A_255, %dma_start3A_270] : memref<4x2496xi32, #tpu.memory_space<vmem>> -> memref<1x2496xi32, #tpu.memory_space<vmem>>
      %dma_start3A_272 = tpu.memref_squeeze %dma_start3A_271 : memref<1x2496xi32, #tpu.memory_space<vmem>> -> memref<2496xi32, #tpu.memory_space<vmem>>
      %dma_start3A_273 = arith.constant 0 : i32
      %dma_start3A_274 = arith.constant 0 : i32
      %dma_start3A_275 = tpu.memref_slice %arg13[%dma_start3A_273, %dma_start3A_274] : memref<10000x16xf32, #tpu.memory_space<vmem_shared>> -> memref<10000x16xf32, #tpu.memory_space<vmem_shared>>
      tpu.enqueue_indirect_dma source(%arg8 : memref<2496x16xf32, #tpu.memory_space<vmem>>) target(%dma_start3A_275 : memref<10000x16xf32, #tpu.memory_space<vmem_shared>>) offsets(%dma_start3A_272 : memref<2496xi32, #tpu.memory_space<vmem>>) semaphore(%run_scoped3A_269 : memref<!tpu.dma_semaphore, #tpu.memory_space<semaphore_mem>>) {add = true}
      %dma_wait3A_276 = arith.constant 0 : i32
      %dma_wait3A_277 = tpu.memref_slice %arg6[%run_scoped3A_255, %dma_wait3A_276] : memref<4x2496xi32, #tpu.memory_space<vmem>> -> memref<1x2496xi32, #tpu.memory_space<vmem>>
      %dma_wait3A_278 = tpu.memref_squeeze %dma_wait3A_277 : memref<1x2496xi32, #tpu.memory_space<vmem>> -> memref<2496xi32, #tpu.memory_space<vmem>>
      %dma_wait3A_279 = arith.constant 0 : i32
      %dma_wait3A_280 = arith.constant 0 : i32
      %dma_wait3A_281 = tpu.memref_slice %arg13[%dma_wait3A_279, %dma_wait3A_280] : memref<10000x16xf32, #tpu.memory_space<vmem_shared>> -> memref<10000x16xf32, #tpu.memory_space<vmem_shared>>
      tpu.wait_indirect_dma semaphore(%run_scoped3A_269 : memref<!tpu.dma_semaphore, #tpu.memory_space<semaphore_mem>>) src(%arg8 : memref<2496x16xf32, #tpu.memory_space<vmem>>) dst(%dma_wait3A_281 : memref<10000x16xf32, #tpu.memory_space<vmem_shared>>)
      tpu.yield
    }) : () -> ()
    %dma_wait3A_256 = arith.constant 3 : i32
    %dma_wait3A_257 = arith.constant 0 : i32
    %dma_wait3A_258 = tpu.memref_slice %arg5[%dma_wait3A_256, %dma_wait3A_257] : memref<4x2496xi32, #tpu.memory_space<vmem>> -> memref<1x2496xi32, #tpu.memory_space<vmem>>
    %dma_wait3A_259 = tpu.memref_squeeze %dma_wait3A_258 : memref<1x2496xi32, #tpu.memory_space<vmem>> -> memref<2496xi32, #tpu.memory_space<vmem>>
    %dma_wait3A_260 = arith.constant 0 : i32
    %dma_wait3A_261 = arith.constant 0 : i32
    %dma_wait3A_262 = tpu.memref_slice %arg12[%dma_wait3A_260, %dma_wait3A_261] : memref<10000x16xf32, #tpu.memory_space<vmem_shared>> -> memref<10000x16xf32, #tpu.memory_space<vmem_shared>>
    tpu.wait_indirect_dma semaphore(%arg15 : memref<!tpu.dma_semaphore, #tpu.memory_space<semaphore_mem>>) src(%dma_wait3A_262 : memref<10000x16xf32, #tpu.memory_space<vmem_shared>>) dst(%arg9 : memref<2496x16xf32, #tpu.memory_space<vmem>>)
    %run_scoped3A_263 = arith.constant 3 : i32
    "tpu.region"() ({
      %run_scoped3A_269 = tpu.sem_alloc : memref<!tpu.dma_semaphore, #tpu.memory_space<semaphore_mem>>
      %dma_start3A_270 = arith.constant 0 : i32
      %dma_start3A_271 = tpu.memref_slice %arg6[%run_scoped3A_263, %dma_start3A_270] : memref<4x2496xi32, #tpu.memory_space<vmem>> -> memref<1x2496xi32, #tpu.memory_space<vmem>>
      %dma_start3A_272 = tpu.memref_squeeze %dma_start3A_271 : memref<1x2496xi32, #tpu.memory_space<vmem>> -> memref<2496xi32, #tpu.memory_space<vmem>>
      %dma_start3A_273 = arith.constant 0 : i32
      %dma_start3A_274 = arith.constant 0 : i32
      %dma_start3A_275 = tpu.memref_slice %arg13[%dma_start3A_273, %dma_start3A_274] : memref<10000x16xf32, #tpu.memory_space<vmem_shared>> -> memref<10000x16xf32, #tpu.memory_space<vmem_shared>>
      tpu.enqueue_indirect_dma source(%arg9 : memref<2496x16xf32, #tpu.memory_space<vmem>>) target(%dma_start3A_275 : memref<10000x16xf32, #tpu.memory_space<vmem_shared>>) offsets(%dma_start3A_272 : memref<2496xi32, #tpu.memory_space<vmem>>) semaphore(%run_scoped3A_269 : memref<!tpu.dma_semaphore, #tpu.memory_space<semaphore_mem>>) {add = true}
      %dma_wait3A_276 = arith.constant 0 : i32
      %dma_wait3A_277 = tpu.memref_slice %arg6[%run_scoped3A_263, %dma_wait3A_276] : memref<4x2496xi32, #tpu.memory_space<vmem>> -> memref<1x2496xi32, #tpu.memory_space<vmem>>
      %dma_wait3A_278 = tpu.memref_squeeze %dma_wait3A_277 : memref<1x2496xi32, #tpu.memory_space<vmem>> -> memref<2496xi32, #tpu.memory_space<vmem>>
      %dma_wait3A_279 = arith.constant 0 : i32
      %dma_wait3A_280 = arith.constant 0 : i32
      %dma_wait3A_281 = tpu.memref_slice %arg13[%dma_wait3A_279, %dma_wait3A_280] : memref<10000x16xf32, #tpu.memory_space<vmem_shared>> -> memref<10000x16xf32, #tpu.memory_space<vmem_shared>>
      tpu.wait_indirect_dma semaphore(%run_scoped3A_269 : memref<!tpu.dma_semaphore, #tpu.memory_space<semaphore_mem>>) src(%arg9 : memref<2496x16xf32, #tpu.memory_space<vmem>>) dst(%dma_wait3A_281 : memref<10000x16xf32, #tpu.memory_space<vmem_shared>>)
      tpu.yield
    }) : () -> ()
    %barrier3A_264 = arith.constant 0 : index
    tpu.barrier barrier_id(%barrier3A_264)
    %mul3A_265 = arith.constant 625 : i32
    %mul3A_266 = arith.muli %arg1, %mul3A_265 : i32
    %mul3A_267 = arith.constant 625 : i32
    %mul3A_268 = arith.muli %arg1, %mul3A_267 : i32
    "tpu.region"() ({
      %run_scoped3A_269 = tpu.sem_alloc : memref<!tpu.dma_semaphore, #tpu.memory_space<semaphore_mem>>
      %dma_start3A_270 = arith.constant 0 : i32
      %dma_start3A_271 = tpu.memref_slice %arg4[%arg0, %mul3A_268, %dma_start3A_270] : memref<2x10000x16xf32, #tpu.memory_space<hbm>> -> memref<1x625x16xf32, #tpu.memory_space<hbm>>
      %dma_start3A_272 = tpu.memref_squeeze %dma_start3A_271 : memref<1x625x16xf32, #tpu.memory_space<hbm>> -> memref<625x16xf32, #tpu.memory_space<hbm>>
      %dma_start3A_273 = arith.constant 0 : i32
      %dma_start3A_274 = tpu.memref_slice %arg13[%mul3A_266, %dma_start3A_273] : memref<10000x16xf32, #tpu.memory_space<vmem_shared>> -> memref<625x16xf32, #tpu.memory_space<vmem_shared>>
      tpu.enqueue_dma source(%dma_start3A_274 : memref<625x16xf32, #tpu.memory_space<vmem_shared>>) target(%dma_start3A_272 : memref<625x16xf32, #tpu.memory_space<hbm>>) target_semaphore(%run_scoped3A_269 : memref<!tpu.dma_semaphore, #tpu.memory_space<semaphore_mem>>)
      %dma_wait3A_275 = arith.constant 0 : i32
      %dma_wait3A_276 = tpu.memref_slice %arg4[%arg0, %mul3A_268, %dma_wait3A_275] : memref<2x10000x16xf32, #tpu.memory_space<hbm>> -> memref<1x625x16xf32, #tpu.memory_space<hbm>>
      %dma_wait3A_277 = tpu.memref_squeeze %dma_wait3A_276 : memref<1x625x16xf32, #tpu.memory_space<hbm>> -> memref<625x16xf32, #tpu.memory_space<hbm>>
      %dma_wait3A_278 = arith.constant 0 : i32
      %dma_wait3A_279 = tpu.memref_slice %arg13[%mul3A_266, %dma_wait3A_278] : memref<10000x16xf32, #tpu.memory_space<vmem_shared>> -> memref<625x16xf32, #tpu.memory_space<vmem_shared>>
      tpu.wait_dma2 semaphore(%run_scoped3A_269 : memref<!tpu.dma_semaphore, #tpu.memory_space<semaphore_mem>>) src(%dma_wait3A_279 : memref<625x16xf32, #tpu.memory_space<vmem_shared>>) dst(%dma_wait3A_277 : memref<625x16xf32, #tpu.memory_space<hbm>>)
      tpu.yield
    }) : () -> ()
    return
  }
}

#map = affine_map<(d0, d1) -> (0, 0)>
#map1 = affine_map<(d0, d1) -> (0)>
#map2 = affine_map<(d0, d1) -> (0, 0, 0)>
module attributes {stable_mosaic.version = 14 : i64} {
  func.func @_seg_sum_body(%arg0: i32, %arg1: i32, %arg2: memref<10000x16xf32, #tpu.memory_space<hbm>>, %arg3: memref<640000xi32, #tpu.memory_space<hbm>>, %arg4: memref<2x10000x16xf32, #tpu.memory_space<hbm>>, %arg5: memref<4x2496xi32, #tpu.memory_space<vmem>>, %arg6: memref<4x2496xi32, #tpu.memory_space<vmem>>, %arg7: memref<2x128xi32, #tpu.memory_space<vmem>>, %arg8: memref<2496x16xf32, #tpu.memory_space<vmem>>, %arg9: memref<2496x16xf32, #tpu.memory_space<vmem>>, %arg10: memref<128x16xf32, #tpu.memory_space<vmem>>, %arg11: memref<125x16xf32, #tpu.memory_space<vmem>>, %arg12: memref<10000x16xf32, #tpu.memory_space<vmem_shared>>, %arg13: memref<10000x16xf32, #tpu.memory_space<vmem_shared>>, %arg14: memref<!tpu.dma_semaphore, #tpu.memory_space<semaphore_mem>>, %arg15: memref<!tpu.dma_semaphore, #tpu.memory_space<semaphore_mem>>, %arg16: memref<!tpu.dma_semaphore, #tpu.memory_space<semaphore_mem>>, %arg17: memref<!tpu.dma_semaphore, #tpu.memory_space<semaphore_mem>>) attributes {dimension_semantics = [#tpu.dimension_semantics<core_parallel>, #tpu.dimension_semantics<subcore_parallel>], iteration_bounds = array<i64: 2, 16>, scalar_prefetch = 0 : i64, scratch_operands = 13 : i64, tpu.core_type = #tpu.core_type<sc_vector_subcore>, window_params = [{transform_indices = #map}, {transform_indices = #map1}, {transform_indices = #map2}]} {
    %mul3A = arith.constant 2 : i32
    %mul3A_0 = arith.muli %arg1, %mul3A : i32
    %add3A = arith.addi %mul3A_0, %arg0 : i32
    %mul3A_1 = arith.constant 9984 : i32
    %mul3A_2 = arith.muli %mul3A_1, %add3A : i32
    %add3A_3 = arith.constant 0 : i32
    %add3A_4 = arith.addi %mul3A_2, %add3A_3 : i32
    %dma_start3A = arith.constant 0 : i32
    %dma_start3A_5 = arith.constant 0 : i32
    %dma_start3A_6 = tpu.memref_slice %arg5[%dma_start3A, %dma_start3A_5] : memref<4x2496xi32, #tpu.memory_space<vmem>> -> memref<1x2496xi32, #tpu.memory_space<vmem>>
    %dma_start3A_7 = tpu.memref_squeeze %dma_start3A_6 : memref<1x2496xi32, #tpu.memory_space<vmem>> -> memref<2496xi32, #tpu.memory_space<vmem>>
    %dma_start3A_8 = tpu.memref_slice %arg3[%add3A_4] : memref<640000xi32, #tpu.memory_space<hbm>> -> memref<2496xi32, #tpu.memory_space<hbm>>
    %dma_start3A_9 = arith.constant 0 : i32
    %dma_start3A_10 = tpu.memref_slice %arg5[%dma_start3A, %dma_start3A_9] : memref<4x2496xi32, #tpu.memory_space<vmem>> -> memref<1x2496xi32, #tpu.memory_space<vmem>>
    %dma_start3A_11 = tpu.memref_squeeze %dma_start3A_10 : memref<1x2496xi32, #tpu.memory_space<vmem>> -> memref<2496xi32, #tpu.memory_space<vmem>>
    %dma_start3A_12 = tpu.memref_slice %arg3[%add3A_4] : memref<640000xi32, #tpu.memory_space<hbm>> -> memref<2496xi32, #tpu.memory_space<hbm>>
    tpu.enqueue_dma source(%dma_start3A_12 : memref<2496xi32, #tpu.memory_space<hbm>>) target(%dma_start3A_11 : memref<2496xi32, #tpu.memory_space<vmem>>) target_semaphore(%arg16 : memref<!tpu.dma_semaphore, #tpu.memory_space<semaphore_mem>>)
    %add3A_13 = arith.constant 320000 : i32
    %add3A_14 = arith.addi %add3A_13, %mul3A_2 : i32
    %add3A_15 = arith.constant 0 : i32
    %add3A_16 = arith.addi %add3A_14, %add3A_15 : i32
    %dma_start3A_17 = arith.constant 0 : i32
    %dma_start3A_18 = arith.constant 0 : i32
    %dma_start3A_19 = tpu.memref_slice %arg6[%dma_start3A_17, %dma_start3A_18] : memref<4x2496xi32, #tpu.memory_space<vmem>> -> memref<1x2496xi32, #tpu.memory_space<vmem>>
    %dma_start3A_20 = tpu.memref_squeeze %dma_start3A_19 : memref<1x2496xi32, #tpu.memory_space<vmem>> -> memref<2496xi32, #tpu.memory_space<vmem>>
    %dma_start3A_21 = tpu.memref_slice %arg3[%add3A_16] : memref<640000xi32, #tpu.memory_space<hbm>> -> memref<2496xi32, #tpu.memory_space<hbm>>
    %dma_start3A_22 = arith.constant 0 : i32
    %dma_start3A_23 = tpu.memref_slice %arg6[%dma_start3A_17, %dma_start3A_22] : memref<4x2496xi32, #tpu.memory_space<vmem>> -> memref<1x2496xi32, #tpu.memory_space<vmem>>
    %dma_start3A_24 = tpu.memref_squeeze %dma_start3A_23 : memref<1x2496xi32, #tpu.memory_space<vmem>> -> memref<2496xi32, #tpu.memory_space<vmem>>
    %dma_start3A_25 = tpu.memref_slice %arg3[%add3A_16] : memref<640000xi32, #tpu.memory_space<hbm>> -> memref<2496xi32, #tpu.memory_space<hbm>>
    tpu.enqueue_dma source(%dma_start3A_25 : memref<2496xi32, #tpu.memory_space<hbm>>) target(%dma_start3A_24 : memref<2496xi32, #tpu.memory_space<vmem>>) target_semaphore(%arg16 : memref<!tpu.dma_semaphore, #tpu.memory_space<semaphore_mem>>)
    %add3A_26 = arith.constant 2496 : i32
    %add3A_27 = arith.addi %mul3A_2, %add3A_26 : i32
    %dma_start3A_28 = arith.constant 1 : i32
    %dma_start3A_29 = arith.constant 0 : i32
    %dma_start3A_30 = tpu.memref_slice %arg5[%dma_start3A_28, %dma_start3A_29] : memref<4x2496xi32, #tpu.memory_space<vmem>> -> memref<1x2496xi32, #tpu.memory_space<vmem>>
    %dma_start3A_31 = tpu.memref_squeeze %dma_start3A_30 : memref<1x2496xi32, #tpu.memory_space<vmem>> -> memref<2496xi32, #tpu.memory_space<vmem>>
    %dma_start3A_32 = tpu.memref_slice %arg3[%add3A_27] : memref<640000xi32, #tpu.memory_space<hbm>> -> memref<2496xi32, #tpu.memory_space<hbm>>
    %dma_start3A_33 = arith.constant 0 : i32
    %dma_start3A_34 = tpu.memref_slice %arg5[%dma_start3A_28, %dma_start3A_33] : memref<4x2496xi32, #tpu.memory_space<vmem>> -> memref<1x2496xi32, #tpu.memory_space<vmem>>
    %dma_start3A_35 = tpu.memref_squeeze %dma_start3A_34 : memref<1x2496xi32, #tpu.memory_space<vmem>> -> memref<2496xi32, #tpu.memory_space<vmem>>
    %dma_start3A_36 = tpu.memref_slice %arg3[%add3A_27] : memref<640000xi32, #tpu.memory_space<hbm>> -> memref<2496xi32, #tpu.memory_space<hbm>>
    tpu.enqueue_dma source(%dma_start3A_36 : memref<2496xi32, #tpu.memory_space<hbm>>) target(%dma_start3A_35 : memref<2496xi32, #tpu.memory_space<vmem>>) target_semaphore(%arg16 : memref<!tpu.dma_semaphore, #tpu.memory_space<semaphore_mem>>)
    %add3A_37 = arith.constant 320000 : i32
    %add3A_38 = arith.addi %add3A_37, %mul3A_2 : i32
    %add3A_39 = arith.constant 2496 : i32
    %add3A_40 = arith.addi %add3A_38, %add3A_39 : i32
    %dma_start3A_41 = arith.constant 1 : i32
    %dma_start3A_42 = arith.constant 0 : i32
    %dma_start3A_43 = tpu.memref_slice %arg6[%dma_start3A_41, %dma_start3A_42] : memref<4x2496xi32, #tpu.memory_space<vmem>> -> memref<1x2496xi32, #tpu.memory_space<vmem>>
    %dma_start3A_44 = tpu.memref_squeeze %dma_start3A_43 : memref<1x2496xi32, #tpu.memory_space<vmem>> -> memref<2496xi32, #tpu.memory_space<vmem>>
    %dma_start3A_45 = tpu.memref_slice %arg3[%add3A_40] : memref<640000xi32, #tpu.memory_space<hbm>> -> memref<2496xi32, #tpu.memory_space<hbm>>
    %dma_start3A_46 = arith.constant 0 : i32
    %dma_start3A_47 = tpu.memref_slice %arg6[%dma_start3A_41, %dma_start3A_46] : memref<4x2496xi32, #tpu.memory_space<vmem>> -> memref<1x2496xi32, #tpu.memory_space<vmem>>
    %dma_start3A_48 = tpu.memref_squeeze %dma_start3A_47 : memref<1x2496xi32, #tpu.memory_space<vmem>> -> memref<2496xi32, #tpu.memory_space<vmem>>
    %dma_start3A_49 = tpu.memref_slice %arg3[%add3A_40] : memref<640000xi32, #tpu.memory_space<hbm>> -> memref<2496xi32, #tpu.memory_space<hbm>>
    tpu.enqueue_dma source(%dma_start3A_49 : memref<2496xi32, #tpu.memory_space<hbm>>) target(%dma_start3A_48 : memref<2496xi32, #tpu.memory_space<vmem>>) target_semaphore(%arg16 : memref<!tpu.dma_semaphore, #tpu.memory_space<semaphore_mem>>)
    %add3A_50 = arith.constant 4992 : i32
    %add3A_51 = arith.addi %mul3A_2, %add3A_50 : i32
    %dma_start3A_52 = arith.constant 2 : i32
    %dma_start3A_53 = arith.constant 0 : i32
    %dma_start3A_54 = tpu.memref_slice %arg5[%dma_start3A_52, %dma_start3A_53] : memref<4x2496xi32, #tpu.memory_space<vmem>> -> memref<1x2496xi32, #tpu.memory_space<vmem>>
    %dma_start3A_55 = tpu.memref_squeeze %dma_start3A_54 : memref<1x2496xi32, #tpu.memory_space<vmem>> -> memref<2496xi32, #tpu.memory_space<vmem>>
    %dma_start3A_56 = tpu.memref_slice %arg3[%add3A_51] : memref<640000xi32, #tpu.memory_space<hbm>> -> memref<2496xi32, #tpu.memory_space<hbm>>
    %dma_start3A_57 = arith.constant 0 : i32
    %dma_start3A_58 = tpu.memref_slice %arg5[%dma_start3A_52, %dma_start3A_57] : memref<4x2496xi32, #tpu.memory_space<vmem>> -> memref<1x2496xi32, #tpu.memory_space<vmem>>
    %dma_start3A_59 = tpu.memref_squeeze %dma_start3A_58 : memref<1x2496xi32, #tpu.memory_space<vmem>> -> memref<2496xi32, #tpu.memory_space<vmem>>
    %dma_start3A_60 = tpu.memref_slice %arg3[%add3A_51] : memref<640000xi32, #tpu.memory_space<hbm>> -> memref<2496xi32, #tpu.memory_space<hbm>>
    tpu.enqueue_dma source(%dma_start3A_60 : memref<2496xi32, #tpu.memory_space<hbm>>) target(%dma_start3A_59 : memref<2496xi32, #tpu.memory_space<vmem>>) target_semaphore(%arg16 : memref<!tpu.dma_semaphore, #tpu.memory_space<semaphore_mem>>)
    %add3A_61 = arith.constant 320000 : i32
    %add3A_62 = arith.addi %add3A_61, %mul3A_2 : i32
    %add3A_63 = arith.constant 4992 : i32
    %add3A_64 = arith.addi %add3A_62, %add3A_63 : i32
    %dma_start3A_65 = arith.constant 2 : i32
    %dma_start3A_66 = arith.constant 0 : i32
    %dma_start3A_67 = tpu.memref_slice %arg6[%dma_start3A_65, %dma_start3A_66] : memref<4x2496xi32, #tpu.memory_space<vmem>> -> memref<1x2496xi32, #tpu.memory_space<vmem>>
    %dma_start3A_68 = tpu.memref_squeeze %dma_start3A_67 : memref<1x2496xi32, #tpu.memory_space<vmem>> -> memref<2496xi32, #tpu.memory_space<vmem>>
    %dma_start3A_69 = tpu.memref_slice %arg3[%add3A_64] : memref<640000xi32, #tpu.memory_space<hbm>> -> memref<2496xi32, #tpu.memory_space<hbm>>
    %dma_start3A_70 = arith.constant 0 : i32
    %dma_start3A_71 = tpu.memref_slice %arg6[%dma_start3A_65, %dma_start3A_70] : memref<4x2496xi32, #tpu.memory_space<vmem>> -> memref<1x2496xi32, #tpu.memory_space<vmem>>
    %dma_start3A_72 = tpu.memref_squeeze %dma_start3A_71 : memref<1x2496xi32, #tpu.memory_space<vmem>> -> memref<2496xi32, #tpu.memory_space<vmem>>
    %dma_start3A_73 = tpu.memref_slice %arg3[%add3A_64] : memref<640000xi32, #tpu.memory_space<hbm>> -> memref<2496xi32, #tpu.memory_space<hbm>>
    tpu.enqueue_dma source(%dma_start3A_73 : memref<2496xi32, #tpu.memory_space<hbm>>) target(%dma_start3A_72 : memref<2496xi32, #tpu.memory_space<vmem>>) target_semaphore(%arg16 : memref<!tpu.dma_semaphore, #tpu.memory_space<semaphore_mem>>)
    %add3A_74 = arith.constant 7488 : i32
    %add3A_75 = arith.addi %mul3A_2, %add3A_74 : i32
    %dma_start3A_76 = arith.constant 3 : i32
    %dma_start3A_77 = arith.constant 0 : i32
    %dma_start3A_78 = tpu.memref_slice %arg5[%dma_start3A_76, %dma_start3A_77] : memref<4x2496xi32, #tpu.memory_space<vmem>> -> memref<1x2496xi32, #tpu.memory_space<vmem>>
    %dma_start3A_79 = tpu.memref_squeeze %dma_start3A_78 : memref<1x2496xi32, #tpu.memory_space<vmem>> -> memref<2496xi32, #tpu.memory_space<vmem>>
    %dma_start3A_80 = tpu.memref_slice %arg3[%add3A_75] : memref<640000xi32, #tpu.memory_space<hbm>> -> memref<2496xi32, #tpu.memory_space<hbm>>
    %dma_start3A_81 = arith.constant 0 : i32
    %dma_start3A_82 = tpu.memref_slice %arg5[%dma_start3A_76, %dma_start3A_81] : memref<4x2496xi32, #tpu.memory_space<vmem>> -> memref<1x2496xi32, #tpu.memory_space<vmem>>
    %dma_start3A_83 = tpu.memref_squeeze %dma_start3A_82 : memref<1x2496xi32, #tpu.memory_space<vmem>> -> memref<2496xi32, #tpu.memory_space<vmem>>
    %dma_start3A_84 = tpu.memref_slice %arg3[%add3A_75] : memref<640000xi32, #tpu.memory_space<hbm>> -> memref<2496xi32, #tpu.memory_space<hbm>>
    tpu.enqueue_dma source(%dma_start3A_84 : memref<2496xi32, #tpu.memory_space<hbm>>) target(%dma_start3A_83 : memref<2496xi32, #tpu.memory_space<vmem>>) target_semaphore(%arg16 : memref<!tpu.dma_semaphore, #tpu.memory_space<semaphore_mem>>)
    %add3A_85 = arith.constant 320000 : i32
    %add3A_86 = arith.addi %add3A_85, %mul3A_2 : i32
    %add3A_87 = arith.constant 7488 : i32
    %add3A_88 = arith.addi %add3A_86, %add3A_87 : i32
    %dma_start3A_89 = arith.constant 3 : i32
    %dma_start3A_90 = arith.constant 0 : i32
    %dma_start3A_91 = tpu.memref_slice %arg6[%dma_start3A_89, %dma_start3A_90] : memref<4x2496xi32, #tpu.memory_space<vmem>> -> memref<1x2496xi32, #tpu.memory_space<vmem>>
    %dma_start3A_92 = tpu.memref_squeeze %dma_start3A_91 : memref<1x2496xi32, #tpu.memory_space<vmem>> -> memref<2496xi32, #tpu.memory_space<vmem>>
    %dma_start3A_93 = tpu.memref_slice %arg3[%add3A_88] : memref<640000xi32, #tpu.memory_space<hbm>> -> memref<2496xi32, #tpu.memory_space<hbm>>
    %dma_start3A_94 = arith.constant 0 : i32
    %dma_start3A_95 = tpu.memref_slice %arg6[%dma_start3A_89, %dma_start3A_94] : memref<4x2496xi32, #tpu.memory_space<vmem>> -> memref<1x2496xi32, #tpu.memory_space<vmem>>
    %dma_start3A_96 = tpu.memref_squeeze %dma_start3A_95 : memref<1x2496xi32, #tpu.memory_space<vmem>> -> memref<2496xi32, #tpu.memory_space<vmem>>
    %dma_start3A_97 = tpu.memref_slice %arg3[%add3A_88] : memref<640000xi32, #tpu.memory_space<hbm>> -> memref<2496xi32, #tpu.memory_space<hbm>>
    tpu.enqueue_dma source(%dma_start3A_97 : memref<2496xi32, #tpu.memory_space<hbm>>) target(%dma_start3A_96 : memref<2496xi32, #tpu.memory_space<vmem>>) target_semaphore(%arg16 : memref<!tpu.dma_semaphore, #tpu.memory_space<semaphore_mem>>)
    %mul3A_98 = arith.constant 625 : i32
    %mul3A_99 = arith.muli %arg1, %mul3A_98 : i32
    %mul3A_100 = arith.constant 625 : i32
    %mul3A_101 = arith.muli %arg1, %mul3A_100 : i32
    %dma_start3A_102 = arith.constant 0 : i32
    %dma_start3A_103 = tpu.memref_slice %arg12[%mul3A_101, %dma_start3A_102] : memref<10000x16xf32, #tpu.memory_space<vmem_shared>> -> memref<625x16xf32, #tpu.memory_space<vmem_shared>>
    %dma_start3A_104 = arith.constant 0 : i32
    %dma_start3A_105 = tpu.memref_slice %arg2[%mul3A_99, %dma_start3A_104] : memref<10000x16xf32, #tpu.memory_space<hbm>> -> memref<625x16xf32, #tpu.memory_space<hbm>>
    tpu.enqueue_dma source(%dma_start3A_105 : memref<625x16xf32, #tpu.memory_space<hbm>>) target(%dma_start3A_103 : memref<625x16xf32, #tpu.memory_space<vmem_shared>>) target_semaphore(%arg16 : memref<!tpu.dma_semaphore, #tpu.memory_space<semaphore_mem>>)
    %parallel_loop3A = arith.constant 0 : i32
    %parallel_loop3A_106 = arith.constant 125 : i32
    %parallel_loop3A_107 = arith.constant 1 : i32
    scf.for %parallel_loop3A_269 = %parallel_loop3A to %parallel_loop3A_106 step %parallel_loop3A_107  : i32 {
      %parallel_loop3A_270 = arith.constant 0.000000e+00 : f32
      %parallel_loop3A_271 = vector.broadcast %parallel_loop3A_270 : f32 to vector<16xf32>
      %parallel_loop3A_272 = arith.index_cast %parallel_loop3A_269 : i32 to index
      %parallel_loop3A_273 = arith.constant 0 : index
      %parallel_loop3A_274 = tpu.vector_load %arg11[%parallel_loop3A_272, %parallel_loop3A_273] {strides = array<i32>} : memref<125x16xf32, #tpu.memory_space<vmem>>, vector<1x16xf32>,
      %parallel_loop3A_275 = vector.shape_cast %parallel_loop3A_274 : vector<1x16xf32> to vector<16xf32>
      %parallel_loop3A_276 = vector.shape_cast %parallel_loop3A_271 : vector<16xf32> to vector<1x16xf32>
      tpu.vector_store %arg11[%parallel_loop3A_272, %parallel_loop3A_273], %parallel_loop3A_276 {strides = array<i32>} : memref<125x16xf32, #tpu.memory_space<vmem>>, vector<1x16xf32>,
    } {sc.loop_unroll_factor = 8 : i64, sc.parallel_access}
    %dma_wait3A = arith.constant 0 : i32
    %dma_wait3A_108 = arith.constant 0 : i32
    %dma_wait3A_109 = tpu.memref_slice %arg5[%dma_wait3A, %dma_wait3A_108] : memref<4x2496xi32, #tpu.memory_space<vmem>> -> memref<1x2496xi32, #tpu.memory_space<vmem>>
    %dma_wait3A_110 = tpu.memref_squeeze %dma_wait3A_109 : memref<1x2496xi32, #tpu.memory_space<vmem>> -> memref<2496xi32, #tpu.memory_space<vmem>>
    %dma_wait3A_111 = tpu.memref_slice %arg3[%add3A_4] : memref<640000xi32, #tpu.memory_space<hbm>> -> memref<2496xi32, #tpu.memory_space<hbm>>
    %dma_wait3A_112 = arith.constant 0 : i32
    %dma_wait3A_113 = tpu.memref_slice %arg5[%dma_wait3A, %dma_wait3A_112] : memref<4x2496xi32, #tpu.memory_space<vmem>> -> memref<1x2496xi32, #tpu.memory_space<vmem>>
    %dma_wait3A_114 = tpu.memref_squeeze %dma_wait3A_113 : memref<1x2496xi32, #tpu.memory_space<vmem>> -> memref<2496xi32, #tpu.memory_space<vmem>>
    %dma_wait3A_115 = tpu.memref_slice %arg3[%add3A_4] : memref<640000xi32, #tpu.memory_space<hbm>> -> memref<2496xi32, #tpu.memory_space<hbm>>
    tpu.wait_dma2 semaphore(%arg16 : memref<!tpu.dma_semaphore, #tpu.memory_space<semaphore_mem>>) src(%dma_wait3A_115 : memref<2496xi32, #tpu.memory_space<hbm>>) dst(%dma_wait3A_114 : memref<2496xi32, #tpu.memory_space<vmem>>)
    %dma_wait3A_116 = arith.constant 0 : i32
    %dma_wait3A_117 = arith.constant 0 : i32
    %dma_wait3A_118 = tpu.memref_slice %arg6[%dma_wait3A_116, %dma_wait3A_117] : memref<4x2496xi32, #tpu.memory_space<vmem>> -> memref<1x2496xi32, #tpu.memory_space<vmem>>
    %dma_wait3A_119 = tpu.memref_squeeze %dma_wait3A_118 : memref<1x2496xi32, #tpu.memory_space<vmem>> -> memref<2496xi32, #tpu.memory_space<vmem>>
    %dma_wait3A_120 = tpu.memref_slice %arg3[%add3A_16] : memref<640000xi32, #tpu.memory_space<hbm>> -> memref<2496xi32, #tpu.memory_space<hbm>>
    %dma_wait3A_121 = arith.constant 0 : i32
    %dma_wait3A_122 = tpu.memref_slice %arg6[%dma_wait3A_116, %dma_wait3A_121] : memref<4x2496xi32, #tpu.memory_space<vmem>> -> memref<1x2496xi32, #tpu.memory_space<vmem>>
    %dma_wait3A_123 = tpu.memref_squeeze %dma_wait3A_122 : memref<1x2496xi32, #tpu.memory_space<vmem>> -> memref<2496xi32, #tpu.memory_space<vmem>>
    %dma_wait3A_124 = tpu.memref_slice %arg3[%add3A_16] : memref<640000xi32, #tpu.memory_space<hbm>> -> memref<2496xi32, #tpu.memory_space<hbm>>
    tpu.wait_dma2 semaphore(%arg16 : memref<!tpu.dma_semaphore, #tpu.memory_space<semaphore_mem>>) src(%dma_wait3A_124 : memref<2496xi32, #tpu.memory_space<hbm>>) dst(%dma_wait3A_123 : memref<2496xi32, #tpu.memory_space<vmem>>)
    %dma_wait3A_125 = arith.constant 1 : i32
    %dma_wait3A_126 = arith.constant 0 : i32
    %dma_wait3A_127 = tpu.memref_slice %arg5[%dma_wait3A_125, %dma_wait3A_126] : memref<4x2496xi32, #tpu.memory_space<vmem>> -> memref<1x2496xi32, #tpu.memory_space<vmem>>
    %dma_wait3A_128 = tpu.memref_squeeze %dma_wait3A_127 : memref<1x2496xi32, #tpu.memory_space<vmem>> -> memref<2496xi32, #tpu.memory_space<vmem>>
    %dma_wait3A_129 = tpu.memref_slice %arg3[%add3A_27] : memref<640000xi32, #tpu.memory_space<hbm>> -> memref<2496xi32, #tpu.memory_space<hbm>>
    %dma_wait3A_130 = arith.constant 0 : i32
    %dma_wait3A_131 = tpu.memref_slice %arg5[%dma_wait3A_125, %dma_wait3A_130] : memref<4x2496xi32, #tpu.memory_space<vmem>> -> memref<1x2496xi32, #tpu.memory_space<vmem>>
    %dma_wait3A_132 = tpu.memref_squeeze %dma_wait3A_131 : memref<1x2496xi32, #tpu.memory_space<vmem>> -> memref<2496xi32, #tpu.memory_space<vmem>>
    %dma_wait3A_133 = tpu.memref_slice %arg3[%add3A_27] : memref<640000xi32, #tpu.memory_space<hbm>> -> memref<2496xi32, #tpu.memory_space<hbm>>
    tpu.wait_dma2 semaphore(%arg16 : memref<!tpu.dma_semaphore, #tpu.memory_space<semaphore_mem>>) src(%dma_wait3A_133 : memref<2496xi32, #tpu.memory_space<hbm>>) dst(%dma_wait3A_132 : memref<2496xi32, #tpu.memory_space<vmem>>)
    %dma_wait3A_134 = arith.constant 1 : i32
    %dma_wait3A_135 = arith.constant 0 : i32
    %dma_wait3A_136 = tpu.memref_slice %arg6[%dma_wait3A_134, %dma_wait3A_135] : memref<4x2496xi32, #tpu.memory_space<vmem>> -> memref<1x2496xi32, #tpu.memory_space<vmem>>
    %dma_wait3A_137 = tpu.memref_squeeze %dma_wait3A_136 : memref<1x2496xi32, #tpu.memory_space<vmem>> -> memref<2496xi32, #tpu.memory_space<vmem>>
    %dma_wait3A_138 = tpu.memref_slice %arg3[%add3A_40] : memref<640000xi32, #tpu.memory_space<hbm>> -> memref<2496xi32, #tpu.memory_space<hbm>>
    %dma_wait3A_139 = arith.constant 0 : i32
    %dma_wait3A_140 = tpu.memref_slice %arg6[%dma_wait3A_134, %dma_wait3A_139] : memref<4x2496xi32, #tpu.memory_space<vmem>> -> memref<1x2496xi32, #tpu.memory_space<vmem>>
    %dma_wait3A_141 = tpu.memref_squeeze %dma_wait3A_140 : memref<1x2496xi32, #tpu.memory_space<vmem>> -> memref<2496xi32, #tpu.memory_space<vmem>>
    %dma_wait3A_142 = tpu.memref_slice %arg3[%add3A_40] : memref<640000xi32, #tpu.memory_space<hbm>> -> memref<2496xi32, #tpu.memory_space<hbm>>
    tpu.wait_dma2 semaphore(%arg16 : memref<!tpu.dma_semaphore, #tpu.memory_space<semaphore_mem>>) src(%dma_wait3A_142 : memref<2496xi32, #tpu.memory_space<hbm>>) dst(%dma_wait3A_141 : memref<2496xi32, #tpu.memory_space<vmem>>)
    %dma_wait3A_143 = arith.constant 2 : i32
    %dma_wait3A_144 = arith.constant 0 : i32
    %dma_wait3A_145 = tpu.memref_slice %arg5[%dma_wait3A_143, %dma_wait3A_144] : memref<4x2496xi32, #tpu.memory_space<vmem>> -> memref<1x2496xi32, #tpu.memory_space<vmem>>
    %dma_wait3A_146 = tpu.memref_squeeze %dma_wait3A_145 : memref<1x2496xi32, #tpu.memory_space<vmem>> -> memref<2496xi32, #tpu.memory_space<vmem>>
    %dma_wait3A_147 = tpu.memref_slice %arg3[%add3A_51] : memref<640000xi32, #tpu.memory_space<hbm>> -> memref<2496xi32, #tpu.memory_space<hbm>>
    %dma_wait3A_148 = arith.constant 0 : i32
    %dma_wait3A_149 = tpu.memref_slice %arg5[%dma_wait3A_143, %dma_wait3A_148] : memref<4x2496xi32, #tpu.memory_space<vmem>> -> memref<1x2496xi32, #tpu.memory_space<vmem>>
    %dma_wait3A_150 = tpu.memref_squeeze %dma_wait3A_149 : memref<1x2496xi32, #tpu.memory_space<vmem>> -> memref<2496xi32, #tpu.memory_space<vmem>>
    %dma_wait3A_151 = tpu.memref_slice %arg3[%add3A_51] : memref<640000xi32, #tpu.memory_space<hbm>> -> memref<2496xi32, #tpu.memory_space<hbm>>
    tpu.wait_dma2 semaphore(%arg16 : memref<!tpu.dma_semaphore, #tpu.memory_space<semaphore_mem>>) src(%dma_wait3A_151 : memref<2496xi32, #tpu.memory_space<hbm>>) dst(%dma_wait3A_150 : memref<2496xi32, #tpu.memory_space<vmem>>)
    %dma_wait3A_152 = arith.constant 2 : i32
    %dma_wait3A_153 = arith.constant 0 : i32
    %dma_wait3A_154 = tpu.memref_slice %arg6[%dma_wait3A_152, %dma_wait3A_153] : memref<4x2496xi32, #tpu.memory_space<vmem>> -> memref<1x2496xi32, #tpu.memory_space<vmem>>
    %dma_wait3A_155 = tpu.memref_squeeze %dma_wait3A_154 : memref<1x2496xi32, #tpu.memory_space<vmem>> -> memref<2496xi32, #tpu.memory_space<vmem>>
    %dma_wait3A_156 = tpu.memref_slice %arg3[%add3A_64] : memref<640000xi32, #tpu.memory_space<hbm>> -> memref<2496xi32, #tpu.memory_space<hbm>>
    %dma_wait3A_157 = arith.constant 0 : i32
    %dma_wait3A_158 = tpu.memref_slice %arg6[%dma_wait3A_152, %dma_wait3A_157] : memref<4x2496xi32, #tpu.memory_space<vmem>> -> memref<1x2496xi32, #tpu.memory_space<vmem>>
    %dma_wait3A_159 = tpu.memref_squeeze %dma_wait3A_158 : memref<1x2496xi32, #tpu.memory_space<vmem>> -> memref<2496xi32, #tpu.memory_space<vmem>>
    %dma_wait3A_160 = tpu.memref_slice %arg3[%add3A_64] : memref<640000xi32, #tpu.memory_space<hbm>> -> memref<2496xi32, #tpu.memory_space<hbm>>
    tpu.wait_dma2 semaphore(%arg16 : memref<!tpu.dma_semaphore, #tpu.memory_space<semaphore_mem>>) src(%dma_wait3A_160 : memref<2496xi32, #tpu.memory_space<hbm>>) dst(%dma_wait3A_159 : memref<2496xi32, #tpu.memory_space<vmem>>)
    %dma_wait3A_161 = arith.constant 3 : i32
    %dma_wait3A_162 = arith.constant 0 : i32
    %dma_wait3A_163 = tpu.memref_slice %arg5[%dma_wait3A_161, %dma_wait3A_162] : memref<4x2496xi32, #tpu.memory_space<vmem>> -> memref<1x2496xi32, #tpu.memory_space<vmem>>
    %dma_wait3A_164 = tpu.memref_squeeze %dma_wait3A_163 : memref<1x2496xi32, #tpu.memory_space<vmem>> -> memref<2496xi32, #tpu.memory_space<vmem>>
    %dma_wait3A_165 = tpu.memref_slice %arg3[%add3A_75] : memref<640000xi32, #tpu.memory_space<hbm>> -> memref<2496xi32, #tpu.memory_space<hbm>>
    %dma_wait3A_166 = arith.constant 0 : i32
    %dma_wait3A_167 = tpu.memref_slice %arg5[%dma_wait3A_161, %dma_wait3A_166] : memref<4x2496xi32, #tpu.memory_space<vmem>> -> memref<1x2496xi32, #tpu.memory_space<vmem>>
    %dma_wait3A_168 = tpu.memref_squeeze %dma_wait3A_167 : memref<1x2496xi32, #tpu.memory_space<vmem>> -> memref<2496xi32, #tpu.memory_space<vmem>>
    %dma_wait3A_169 = tpu.memref_slice %arg3[%add3A_75] : memref<640000xi32, #tpu.memory_space<hbm>> -> memref<2496xi32, #tpu.memory_space<hbm>>
    tpu.wait_dma2 semaphore(%arg16 : memref<!tpu.dma_semaphore, #tpu.memory_space<semaphore_mem>>) src(%dma_wait3A_169 : memref<2496xi32, #tpu.memory_space<hbm>>) dst(%dma_wait3A_168 : memref<2496xi32, #tpu.memory_space<vmem>>)
    %dma_wait3A_170 = arith.constant 3 : i32
    %dma_wait3A_171 = arith.constant 0 : i32
    %dma_wait3A_172 = tpu.memref_slice %arg6[%dma_wait3A_170, %dma_wait3A_171] : memref<4x2496xi32, #tpu.memory_space<vmem>> -> memref<1x2496xi32, #tpu.memory_space<vmem>>
    %dma_wait3A_173 = tpu.memref_squeeze %dma_wait3A_172 : memref<1x2496xi32, #tpu.memory_space<vmem>> -> memref<2496xi32, #tpu.memory_space<vmem>>
    %dma_wait3A_174 = tpu.memref_slice %arg3[%add3A_88] : memref<640000xi32, #tpu.memory_space<hbm>> -> memref<2496xi32, #tpu.memory_space<hbm>>
    %dma_wait3A_175 = arith.constant 0 : i32
    %dma_wait3A_176 = tpu.memref_slice %arg6[%dma_wait3A_170, %dma_wait3A_175] : memref<4x2496xi32, #tpu.memory_space<vmem>> -> memref<1x2496xi32, #tpu.memory_space<vmem>>
    %dma_wait3A_177 = tpu.memref_squeeze %dma_wait3A_176 : memref<1x2496xi32, #tpu.memory_space<vmem>> -> memref<2496xi32, #tpu.memory_space<vmem>>
    %dma_wait3A_178 = tpu.memref_slice %arg3[%add3A_88] : memref<640000xi32, #tpu.memory_space<hbm>> -> memref<2496xi32, #tpu.memory_space<hbm>>
    tpu.wait_dma2 semaphore(%arg16 : memref<!tpu.dma_semaphore, #tpu.memory_space<semaphore_mem>>) src(%dma_wait3A_178 : memref<2496xi32, #tpu.memory_space<hbm>>) dst(%dma_wait3A_177 : memref<2496xi32, #tpu.memory_space<vmem>>)
    %dma_wait3A_179 = arith.constant 0 : i32
    %dma_wait3A_180 = tpu.memref_slice %arg12[%mul3A_101, %dma_wait3A_179] : memref<10000x16xf32, #tpu.memory_space<vmem_shared>> -> memref<625x16xf32, #tpu.memory_space<vmem_shared>>
    %dma_wait3A_181 = arith.constant 0 : i32
    %dma_wait3A_182 = tpu.memref_slice %arg2[%mul3A_99, %dma_wait3A_181] : memref<10000x16xf32, #tpu.memory_space<hbm>> -> memref<625x16xf32, #tpu.memory_space<hbm>>
    tpu.wait_dma2 semaphore(%arg16 : memref<!tpu.dma_semaphore, #tpu.memory_space<semaphore_mem>>) src(%dma_wait3A_182 : memref<625x16xf32, #tpu.memory_space<hbm>>) dst(%dma_wait3A_180 : memref<625x16xf32, #tpu.memory_space<vmem_shared>>)
    %mul3A_183 = arith.constant 625 : i32
    %mul3A_184 = arith.muli %arg1, %mul3A_183 : i32
    %add3A_185 = arith.constant 0 : i32
    %add3A_186 = arith.addi %mul3A_184, %add3A_185 : i32
    "tpu.region"() ({
      %run_scoped3A_269 = tpu.sem_alloc : memref<!tpu.dma_semaphore, #tpu.memory_space<semaphore_mem>>
      %dma_start3A_270 = arith.constant 0 : i32
      %dma_start3A_271 = tpu.memref_slice %arg13[%add3A_186, %dma_start3A_270] : memref<10000x16xf32, #tpu.memory_space<vmem_shared>> -> memref<125x16xf32, #tpu.memory_space<vmem_shared>>
      %dma_start3A_272 = arith.constant 0 : i32
      %dma_start3A_273 = tpu.memref_slice %arg13[%add3A_186, %dma_start3A_272] : memref<10000x16xf32, #tpu.memory_space<vmem_shared>> -> memref<125x16xf32, #tpu.memory_space<vmem_shared>>
      tpu.enqueue_dma source(%arg11 : memref<125x16xf32, #tpu.memory_space<vmem>>) target(%dma_start3A_273 : memref<125x16xf32, #tpu.memory_space<vmem_shared>>) target_semaphore(%run_scoped3A_269 : memref<!tpu.dma_semaphore, #tpu.memory_space<semaphore_mem>>)
      %dma_wait3A_274 = arith.constant 0 : i32
      %dma_wait3A_275 = tpu.memref_slice %arg13[%add3A_186, %dma_wait3A_274] : memref<10000x16xf32, #tpu.memory_space<vmem_shared>> -> memref<125x16xf32, #tpu.memory_space<vmem_shared>>
      %dma_wait3A_276 = arith.constant 0 : i32
      %dma_wait3A_277 = tpu.memref_slice %arg13[%add3A_186, %dma_wait3A_276] : memref<10000x16xf32, #tpu.memory_space<vmem_shared>> -> memref<125x16xf32, #tpu.memory_space<vmem_shared>>
      tpu.wait_dma2 semaphore(%run_scoped3A_269 : memref<!tpu.dma_semaphore, #tpu.memory_space<semaphore_mem>>) src(%arg11 : memref<125x16xf32, #tpu.memory_space<vmem>>) dst(%dma_wait3A_277 : memref<125x16xf32, #tpu.memory_space<vmem_shared>>)
      tpu.yield
    }) : () -> ()
    %mul3A_187 = arith.constant 625 : i32
    %mul3A_188 = arith.muli %arg1, %mul3A_187 : i32
    %add3A_189 = arith.constant 125 : i32
    %add3A_190 = arith.addi %mul3A_188, %add3A_189 : i32
    "tpu.region"() ({
      %run_scoped3A_269 = tpu.sem_alloc : memref<!tpu.dma_semaphore, #tpu.memory_space<semaphore_mem>>
      %dma_start3A_270 = arith.constant 0 : i32
      %dma_start3A_271 = tpu.memref_slice %arg13[%add3A_190, %dma_start3A_270] : memref<10000x16xf32, #tpu.memory_space<vmem_shared>> -> memref<125x16xf32, #tpu.memory_space<vmem_shared>>
      %dma_start3A_272 = arith.constant 0 : i32
      %dma_start3A_273 = tpu.memref_slice %arg13[%add3A_190, %dma_start3A_272] : memref<10000x16xf32, #tpu.memory_space<vmem_shared>> -> memref<125x16xf32, #tpu.memory_space<vmem_shared>>
      tpu.enqueue_dma source(%arg11 : memref<125x16xf32, #tpu.memory_space<vmem>>) target(%dma_start3A_273 : memref<125x16xf32, #tpu.memory_space<vmem_shared>>) target_semaphore(%run_scoped3A_269 : memref<!tpu.dma_semaphore, #tpu.memory_space<semaphore_mem>>)
      %dma_wait3A_274 = arith.constant 0 : i32
      %dma_wait3A_275 = tpu.memref_slice %arg13[%add3A_190, %dma_wait3A_274] : memref<10000x16xf32, #tpu.memory_space<vmem_shared>> -> memref<125x16xf32, #tpu.memory_space<vmem_shared>>
      %dma_wait3A_276 = arith.constant 0 : i32
      %dma_wait3A_277 = tpu.memref_slice %arg13[%add3A_190, %dma_wait3A_276] : memref<10000x16xf32, #tpu.memory_space<vmem_shared>> -> memref<125x16xf32, #tpu.memory_space<vmem_shared>>
      tpu.wait_dma2 semaphore(%run_scoped3A_269 : memref<!tpu.dma_semaphore, #tpu.memory_space<semaphore_mem>>) src(%arg11 : memref<125x16xf32, #tpu.memory_space<vmem>>) dst(%dma_wait3A_277 : memref<125x16xf32, #tpu.memory_space<vmem_shared>>)
      tpu.yield
    }) : () -> ()
    %mul3A_191 = arith.constant 625 : i32
    %mul3A_192 = arith.muli %arg1, %mul3A_191 : i32
    %add3A_193 = arith.constant 250 : i32
    %add3A_194 = arith.addi %mul3A_192, %add3A_193 : i32
    "tpu.region"() ({
      %run_scoped3A_269 = tpu.sem_alloc : memref<!tpu.dma_semaphore, #tpu.memory_space<semaphore_mem>>
      %dma_start3A_270 = arith.constant 0 : i32
      %dma_start3A_271 = tpu.memref_slice %arg13[%add3A_194, %dma_start3A_270] : memref<10000x16xf32, #tpu.memory_space<vmem_shared>> -> memref<125x16xf32, #tpu.memory_space<vmem_shared>>
      %dma_start3A_272 = arith.constant 0 : i32
      %dma_start3A_273 = tpu.memref_slice %arg13[%add3A_194, %dma_start3A_272] : memref<10000x16xf32, #tpu.memory_space<vmem_shared>> -> memref<125x16xf32, #tpu.memory_space<vmem_shared>>
      tpu.enqueue_dma source(%arg11 : memref<125x16xf32, #tpu.memory_space<vmem>>) target(%dma_start3A_273 : memref<125x16xf32, #tpu.memory_space<vmem_shared>>) target_semaphore(%run_scoped3A_269 : memref<!tpu.dma_semaphore, #tpu.memory_space<semaphore_mem>>)
      %dma_wait3A_274 = arith.constant 0 : i32
      %dma_wait3A_275 = tpu.memref_slice %arg13[%add3A_194, %dma_wait3A_274] : memref<10000x16xf32, #tpu.memory_space<vmem_shared>> -> memref<125x16xf32, #tpu.memory_space<vmem_shared>>
      %dma_wait3A_276 = arith.constant 0 : i32
      %dma_wait3A_277 = tpu.memref_slice %arg13[%add3A_194, %dma_wait3A_276] : memref<10000x16xf32, #tpu.memory_space<vmem_shared>> -> memref<125x16xf32, #tpu.memory_space<vmem_shared>>
      tpu.wait_dma2 semaphore(%run_scoped3A_269 : memref<!tpu.dma_semaphore, #tpu.memory_space<semaphore_mem>>) src(%arg11 : memref<125x16xf32, #tpu.memory_space<vmem>>) dst(%dma_wait3A_277 : memref<125x16xf32, #tpu.memory_space<vmem_shared>>)
      tpu.yield
    }) : () -> ()
    %mul3A_195 = arith.constant 625 : i32
    %mul3A_196 = arith.muli %arg1, %mul3A_195 : i32
    %add3A_197 = arith.constant 375 : i32
    %add3A_198 = arith.addi %mul3A_196, %add3A_197 : i32
    "tpu.region"() ({
      %run_scoped3A_269 = tpu.sem_alloc : memref<!tpu.dma_semaphore, #tpu.memory_space<semaphore_mem>>
      %dma_start3A_270 = arith.constant 0 : i32
      %dma_start3A_271 = tpu.memref_slice %arg13[%add3A_198, %dma_start3A_270] : memref<10000x16xf32, #tpu.memory_space<vmem_shared>> -> memref<125x16xf32, #tpu.memory_space<vmem_shared>>
      %dma_start3A_272 = arith.constant 0 : i32
      %dma_start3A_273 = tpu.memref_slice %arg13[%add3A_198, %dma_start3A_272] : memref<10000x16xf32, #tpu.memory_space<vmem_shared>> -> memref<125x16xf32, #tpu.memory_space<vmem_shared>>
      tpu.enqueue_dma source(%arg11 : memref<125x16xf32, #tpu.memory_space<vmem>>) target(%dma_start3A_273 : memref<125x16xf32, #tpu.memory_space<vmem_shared>>) target_semaphore(%run_scoped3A_269 : memref<!tpu.dma_semaphore, #tpu.memory_space<semaphore_mem>>)
      %dma_wait3A_274 = arith.constant 0 : i32
      %dma_wait3A_275 = tpu.memref_slice %arg13[%add3A_198, %dma_wait3A_274] : memref<10000x16xf32, #tpu.memory_space<vmem_shared>> -> memref<125x16xf32, #tpu.memory_space<vmem_shared>>
      %dma_wait3A_276 = arith.constant 0 : i32
      %dma_wait3A_277 = tpu.memref_slice %arg13[%add3A_198, %dma_wait3A_276] : memref<10000x16xf32, #tpu.memory_space<vmem_shared>> -> memref<125x16xf32, #tpu.memory_space<vmem_shared>>
      tpu.wait_dma2 semaphore(%run_scoped3A_269 : memref<!tpu.dma_semaphore, #tpu.memory_space<semaphore_mem>>) src(%arg11 : memref<125x16xf32, #tpu.memory_space<vmem>>) dst(%dma_wait3A_277 : memref<125x16xf32, #tpu.memory_space<vmem_shared>>)
      tpu.yield
    }) : () -> ()
    %mul3A_199 = arith.constant 625 : i32
    %mul3A_200 = arith.muli %arg1, %mul3A_199 : i32
    %add3A_201 = arith.constant 500 : i32
    %add3A_202 = arith.addi %mul3A_200, %add3A_201 : i32
    "tpu.region"() ({
      %run_scoped3A_269 = tpu.sem_alloc : memref<!tpu.dma_semaphore, #tpu.memory_space<semaphore_mem>>
      %dma_start3A_270 = arith.constant 0 : i32
      %dma_start3A_271 = tpu.memref_slice %arg13[%add3A_202, %dma_start3A_270] : memref<10000x16xf32, #tpu.memory_space<vmem_shared>> -> memref<125x16xf32, #tpu.memory_space<vmem_shared>>
      %dma_start3A_272 = arith.constant 0 : i32
      %dma_start3A_273 = tpu.memref_slice %arg13[%add3A_202, %dma_start3A_272] : memref<10000x16xf32, #tpu.memory_space<vmem_shared>> -> memref<125x16xf32, #tpu.memory_space<vmem_shared>>
      tpu.enqueue_dma source(%arg11 : memref<125x16xf32, #tpu.memory_space<vmem>>) target(%dma_start3A_273 : memref<125x16xf32, #tpu.memory_space<vmem_shared>>) target_semaphore(%run_scoped3A_269 : memref<!tpu.dma_semaphore, #tpu.memory_space<semaphore_mem>>)
      %dma_wait3A_274 = arith.constant 0 : i32
      %dma_wait3A_275 = tpu.memref_slice %arg13[%add3A_202, %dma_wait3A_274] : memref<10000x16xf32, #tpu.memory_space<vmem_shared>> -> memref<125x16xf32, #tpu.memory_space<vmem_shared>>
      %dma_wait3A_276 = arith.constant 0 : i32
      %dma_wait3A_277 = tpu.memref_slice %arg13[%add3A_202, %dma_wait3A_276] : memref<10000x16xf32, #tpu.memory_space<vmem_shared>> -> memref<125x16xf32, #tpu.memory_space<vmem_shared>>
      tpu.wait_dma2 semaphore(%run_scoped3A_269 : memref<!tpu.dma_semaphore, #tpu.memory_space<semaphore_mem>>) src(%arg11 : memref<125x16xf32, #tpu.memory_space<vmem>>) dst(%dma_wait3A_277 : memref<125x16xf32, #tpu.memory_space<vmem_shared>>)
      tpu.yield
    }) : () -> ()
    %barrier3A = arith.constant 0 : index
    tpu.barrier barrier_id(%barrier3A)
    %lt3A = arith.constant 4 : i32
    %lt3A_203 = arith.cmpi slt, %add3A, %lt3A : i32
    %convert_element_type3A = arith.extui %lt3A_203 : i1 to i32
    %cond3A = arith.constant 0 : i32
    %cond3A_204 = arith.cmpi ne, %convert_element_type3A, %cond3A : i32
    scf.if %cond3A_204 {
      %mul3A_269 = arith.constant 128 : i32
      %mul3A_270 = arith.muli %add3A, %mul3A_269 : i32
      %add3A_271 = arith.constant 319488 : i32
      %add3A_272 = arith.addi %add3A_271, %mul3A_270 : i32
      %run_scoped3A_273 = arith.constant 0 : i32
      "tpu.region"() ({
        %run_scoped3A_292 = tpu.sem_alloc : memref<!tpu.dma_semaphore, #tpu.memory_space<semaphore_mem>>
        %dma_start3A_293 = arith.constant 0 : i32
        %dma_start3A_294 = tpu.memref_slice %arg7[%run_scoped3A_273, %dma_start3A_293] : memref<2x128xi32, #tpu.memory_space<vmem>> -> memref<1x128xi32, #tpu.memory_space<vmem>>
        %dma_start3A_295 = tpu.memref_squeeze %dma_start3A_294 : memref<1x128xi32, #tpu.memory_space<vmem>> -> memref<128xi32, #tpu.memory_space<vmem>>
        %dma_start3A_296 = tpu.memref_slice %arg3[%add3A_272] : memref<640000xi32, #tpu.memory_space<hbm>> -> memref<128xi32, #tpu.memory_space<hbm>>
        %dma_start3A_297 = arith.constant 0 : i32
        %dma_start3A_298 = tpu.memref_slice %arg7[%run_scoped3A_273, %dma_start3A_297] : memref<2x128xi32, #tpu.memory_space<vmem>> -> memref<1x128xi32, #tpu.memory_space<vmem>>
        %dma_start3A_299 = tpu.memref_squeeze %dma_start3A_298 : memref<1x128xi32, #tpu.memory_space<vmem>> -> memref<128xi32, #tpu.memory_space<vmem>>
        %dma_start3A_300 = tpu.memref_slice %arg3[%add3A_272] : memref<640000xi32, #tpu.memory_space<hbm>> -> memref<128xi32, #tpu.memory_space<hbm>>
        tpu.enqueue_dma source(%dma_start3A_300 : memref<128xi32, #tpu.memory_space<hbm>>) target(%dma_start3A_299 : memref<128xi32, #tpu.memory_space<vmem>>) target_semaphore(%run_scoped3A_292 : memref<!tpu.dma_semaphore, #tpu.memory_space<semaphore_mem>>)
        %dma_wait3A_301 = arith.constant 0 : i32
        %dma_wait3A_302 = tpu.memref_slice %arg7[%run_scoped3A_273, %dma_wait3A_301] : memref<2x128xi32, #tpu.memory_space<vmem>> -> memref<1x128xi32, #tpu.memory_space<vmem>>
        %dma_wait3A_303 = tpu.memref_squeeze %dma_wait3A_302 : memref<1x128xi32, #tpu.memory_space<vmem>> -> memref<128xi32, #tpu.memory_space<vmem>>
        %dma_wait3A_304 = tpu.memref_slice %arg3[%add3A_272] : memref<640000xi32, #tpu.memory_space<hbm>> -> memref<128xi32, #tpu.memory_space<hbm>>
        %dma_wait3A_305 = arith.constant 0 : i32
        %dma_wait3A_306 = tpu.memref_slice %arg7[%run_scoped3A_273, %dma_wait3A_305] : memref<2x128xi32, #tpu.memory_space<vmem>> -> memref<1x128xi32, #tpu.memory_space<vmem>>
        %dma_wait3A_307 = tpu.memref_squeeze %dma_wait3A_306 : memref<1x128xi32, #tpu.memory_space<vmem>> -> memref<128xi32, #tpu.memory_space<vmem>>
        %dma_wait3A_308 = tpu.memref_slice %arg3[%add3A_272] : memref<640000xi32, #tpu.memory_space<hbm>> -> memref<128xi32, #tpu.memory_space<hbm>>
        tpu.wait_dma2 semaphore(%run_scoped3A_292 : memref<!tpu.dma_semaphore, #tpu.memory_space<semaphore_mem>>) src(%dma_wait3A_308 : memref<128xi32, #tpu.memory_space<hbm>>) dst(%dma_wait3A_307 : memref<128xi32, #tpu.memory_space<vmem>>)
        tpu.yield
      }) : () -> ()
      %add3A_274 = arith.constant 320000 : i32
      %add3A_275 = arith.addi %add3A_274, %add3A_272 : i32
      %run_scoped3A_276 = arith.constant 1 : i32
      "tpu.region"() ({
        %run_scoped3A_292 = tpu.sem_alloc : memref<!tpu.dma_semaphore, #tpu.memory_space<semaphore_mem>>
        %dma_start3A_293 = arith.constant 0 : i32
        %dma_start3A_294 = tpu.memref_slice %arg7[%run_scoped3A_276, %dma_start3A_293] : memref<2x128xi32, #tpu.memory_space<vmem>> -> memref<1x128xi32, #tpu.memory_space<vmem>>
        %dma_start3A_295 = tpu.memref_squeeze %dma_start3A_294 : memref<1x128xi32, #tpu.memory_space<vmem>> -> memref<128xi32, #tpu.memory_space<vmem>>
        %dma_start3A_296 = tpu.memref_slice %arg3[%add3A_275] : memref<640000xi32, #tpu.memory_space<hbm>> -> memref<128xi32, #tpu.memory_space<hbm>>
        %dma_start3A_297 = arith.constant 0 : i32
        %dma_start3A_298 = tpu.memref_slice %arg7[%run_scoped3A_276, %dma_start3A_297] : memref<2x128xi32, #tpu.memory_space<vmem>> -> memref<1x128xi32, #tpu.memory_space<vmem>>
        %dma_start3A_299 = tpu.memref_squeeze %dma_start3A_298 : memref<1x128xi32, #tpu.memory_space<vmem>> -> memref<128xi32, #tpu.memory_space<vmem>>
        %dma_start3A_300 = tpu.memref_slice %arg3[%add3A_275] : memref<640000xi32, #tpu.memory_space<hbm>> -> memref<128xi32, #tpu.memory_space<hbm>>
        tpu.enqueue_dma source(%dma_start3A_300 : memref<128xi32, #tpu.memory_space<hbm>>) target(%dma_start3A_299 : memref<128xi32, #tpu.memory_space<vmem>>) target_semaphore(%run_scoped3A_292 : memref<!tpu.dma_semaphore, #tpu.memory_space<semaphore_mem>>)
        %dma_wait3A_301 = arith.constant 0 : i32
        %dma_wait3A_302 = tpu.memref_slice %arg7[%run_scoped3A_276, %dma_wait3A_301] : memref<2x128xi32, #tpu.memory_space<vmem>> -> memref<1x128xi32, #tpu.memory_space<vmem>>
        %dma_wait3A_303 = tpu.memref_squeeze %dma_wait3A_302 : memref<1x128xi32, #tpu.memory_space<vmem>> -> memref<128xi32, #tpu.memory_space<vmem>>
        %dma_wait3A_304 = tpu.memref_slice %arg3[%add3A_275] : memref<640000xi32, #tpu.memory_space<hbm>> -> memref<128xi32, #tpu.memory_space<hbm>>
        %dma_wait3A_305 = arith.constant 0 : i32
        %dma_wait3A_306 = tpu.memref_slice %arg7[%run_scoped3A_276, %dma_wait3A_305] : memref<2x128xi32, #tpu.memory_space<vmem>> -> memref<1x128xi32, #tpu.memory_space<vmem>>
        %dma_wait3A_307 = tpu.memref_squeeze %dma_wait3A_306 : memref<1x128xi32, #tpu.memory_space<vmem>> -> memref<128xi32, #tpu.memory_space<vmem>>
        %dma_wait3A_308 = tpu.memref_slice %arg3[%add3A_275] : memref<640000xi32, #tpu.memory_space<hbm>> -> memref<128xi32, #tpu.memory_space<hbm>>
        tpu.wait_dma2 semaphore(%run_scoped3A_292 : memref<!tpu.dma_semaphore, #tpu.memory_space<semaphore_mem>>) src(%dma_wait3A_308 : memref<128xi32, #tpu.memory_space<hbm>>) dst(%dma_wait3A_307 : memref<128xi32, #tpu.memory_space<vmem>>)
        tpu.yield
      }) : () -> ()
      %dma_start3A_277 = arith.constant 0 : i32
      %dma_start3A_278 = arith.constant 0 : i32
      %dma_start3A_279 = tpu.memref_slice %arg7[%dma_start3A_277, %dma_start3A_278] : memref<2x128xi32, #tpu.memory_space<vmem>> -> memref<1x128xi32, #tpu.memory_space<vmem>>
      %dma_start3A_280 = tpu.memref_squeeze %dma_start3A_279 : memref<1x128xi32, #tpu.memory_space<vmem>> -> memref<128xi32, #tpu.memory_space<vmem>>
      %dma_start3A_281 = arith.constant 0 : i32
      %dma_start3A_282 = arith.constant 0 : i32
      %dma_start3A_283 = tpu.memref_slice %arg12[%dma_start3A_281, %dma_start3A_282] : memref<10000x16xf32, #tpu.memory_space<vmem_shared>> -> memref<10000x16xf32, #tpu.memory_space<vmem_shared>>
      tpu.enqueue_indirect_dma source(%dma_start3A_283 : memref<10000x16xf32, #tpu.memory_space<vmem_shared>>) target(%arg10 : memref<128x16xf32, #tpu.memory_space<vmem>>) offsets(%dma_start3A_280 : memref<128xi32, #tpu.memory_space<vmem>>) semaphore(%arg17 : memref<!tpu.dma_semaphore, #tpu.memory_space<semaphore_mem>>)
      %dma_wait3A_284 = arith.constant 0 : i32
      %dma_wait3A_285 = arith.constant 0 : i32
      %dma_wait3A_286 = tpu.memref_slice %arg7[%dma_wait3A_284, %dma_wait3A_285] : memref<2x128xi32, #tpu.memory_space<vmem>> -> memref<1x128xi32, #tpu.memory_space<vmem>>
      %dma_wait3A_287 = tpu.memref_squeeze %dma_wait3A_286 : memref<1x128xi32, #tpu.memory_space<vmem>> -> memref<128xi32, #tpu.memory_space<vmem>>
      %dma_wait3A_288 = arith.constant 0 : i32
      %dma_wait3A_289 = arith.constant 0 : i32
      %dma_wait3A_290 = tpu.memref_slice %arg12[%dma_wait3A_288, %dma_wait3A_289] : memref<10000x16xf32, #tpu.memory_space<vmem_shared>> -> memref<10000x16xf32, #tpu.memory_space<vmem_shared>>
      tpu.wait_indirect_dma semaphore(%arg17 : memref<!tpu.dma_semaphore, #tpu.memory_space<semaphore_mem>>) src(%dma_wait3A_290 : memref<10000x16xf32, #tpu.memory_space<vmem_shared>>) dst(%arg10 : memref<128x16xf32, #tpu.memory_space<vmem>>)
      %run_scoped3A_291 = arith.constant 1 : i32
      "tpu.region"() ({
        %run_scoped3A_292 = tpu.sem_alloc : memref<!tpu.dma_semaphore, #tpu.memory_space<semaphore_mem>>
        %dma_start3A_293 = arith.constant 0 : i32
        %dma_start3A_294 = tpu.memref_slice %arg7[%run_scoped3A_291, %dma_start3A_293] : memref<2x128xi32, #tpu.memory_space<vmem>> -> memref<1x128xi32, #tpu.memory_space<vmem>>
        %dma_start3A_295 = tpu.memref_squeeze %dma_start3A_294 : memref<1x128xi32, #tpu.memory_space<vmem>> -> memref<128xi32, #tpu.memory_space<vmem>>
        %dma_start3A_296 = arith.constant 0 : i32
        %dma_start3A_297 = arith.constant 0 : i32
        %dma_start3A_298 = tpu.memref_slice %arg13[%dma_start3A_296, %dma_start3A_297] : memref<10000x16xf32, #tpu.memory_space<vmem_shared>> -> memref<10000x16xf32, #tpu.memory_space<vmem_shared>>
        tpu.enqueue_indirect_dma source(%arg10 : memref<128x16xf32, #tpu.memory_space<vmem>>) target(%dma_start3A_298 : memref<10000x16xf32, #tpu.memory_space<vmem_shared>>) offsets(%dma_start3A_295 : memref<128xi32, #tpu.memory_space<vmem>>) semaphore(%run_scoped3A_292 : memref<!tpu.dma_semaphore, #tpu.memory_space<semaphore_mem>>) {add = true}
        %dma_wait3A_299 = arith.constant 0 : i32
        %dma_wait3A_300 = tpu.memref_slice %arg7[%run_scoped3A_291, %dma_wait3A_299] : memref<2x128xi32, #tpu.memory_space<vmem>> -> memref<1x128xi32, #tpu.memory_space<vmem>>
        %dma_wait3A_301 = tpu.memref_squeeze %dma_wait3A_300 : memref<1x128xi32, #tpu.memory_space<vmem>> -> memref<128xi32, #tpu.memory_space<vmem>>
        %dma_wait3A_302 = arith.constant 0 : i32
        %dma_wait3A_303 = arith.constant 0 : i32
        %dma_wait3A_304 = tpu.memref_slice %arg13[%dma_wait3A_302, %dma_wait3A_303] : memref<10000x16xf32, #tpu.memory_space<vmem_shared>> -> memref<10000x16xf32, #tpu.memory_space<vmem_shared>>
        tpu.wait_indirect_dma semaphore(%run_scoped3A_292 : memref<!tpu.dma_semaphore, #tpu.memory_space<semaphore_mem>>) src(%arg10 : memref<128x16xf32, #tpu.memory_space<vmem>>) dst(%dma_wait3A_304 : memref<10000x16xf32, #tpu.memory_space<vmem_shared>>)
        tpu.yield
      }) : () -> ()
    } else {
    }
    %dma_start3A_205 = arith.constant 0 : i32
    %dma_start3A_206 = arith.constant 0 : i32
    %dma_start3A_207 = tpu.memref_slice %arg5[%dma_start3A_205, %dma_start3A_206] : memref<4x2496xi32, #tpu.memory_space<vmem>> -> memref<1x2496xi32, #tpu.memory_space<vmem>>
    %dma_start3A_208 = tpu.memref_squeeze %dma_start3A_207 : memref<1x2496xi32, #tpu.memory_space<vmem>> -> memref<2496xi32, #tpu.memory_space<vmem>>
    %dma_start3A_209 = arith.constant 0 : i32
    %dma_start3A_210 = arith.constant 0 : i32
    %dma_start3A_211 = tpu.memref_slice %arg12[%dma_start3A_209, %dma_start3A_210] : memref<10000x16xf32, #tpu.memory_space<vmem_shared>> -> memref<10000x16xf32, #tpu.memory_space<vmem_shared>>
    tpu.enqueue_indirect_dma source(%dma_start3A_211 : memref<10000x16xf32, #tpu.memory_space<vmem_shared>>) target(%arg8 : memref<2496x16xf32, #tpu.memory_space<vmem>>) offsets(%dma_start3A_208 : memref<2496xi32, #tpu.memory_space<vmem>>) semaphore(%arg14 : memref<!tpu.dma_semaphore, #tpu.memory_space<semaphore_mem>>)
    %dma_start3A_212 = arith.constant 1 : i32
    %dma_start3A_213 = arith.constant 0 : i32
    %dma_start3A_214 = tpu.memref_slice %arg5[%dma_start3A_212, %dma_start3A_213] : memref<4x2496xi32, #tpu.memory_space<vmem>> -> memref<1x2496xi32, #tpu.memory_space<vmem>>
    %dma_start3A_215 = tpu.memref_squeeze %dma_start3A_214 : memref<1x2496xi32, #tpu.memory_space<vmem>> -> memref<2496xi32, #tpu.memory_space<vmem>>
    %dma_start3A_216 = arith.constant 0 : i32
    %dma_start3A_217 = arith.constant 0 : i32
    %dma_start3A_218 = tpu.memref_slice %arg12[%dma_start3A_216, %dma_start3A_217] : memref<10000x16xf32, #tpu.memory_space<vmem_shared>> -> memref<10000x16xf32, #tpu.memory_space<vmem_shared>>
    tpu.enqueue_indirect_dma source(%dma_start3A_218 : memref<10000x16xf32, #tpu.memory_space<vmem_shared>>) target(%arg9 : memref<2496x16xf32, #tpu.memory_space<vmem>>) offsets(%dma_start3A_215 : memref<2496xi32, #tpu.memory_space<vmem>>) semaphore(%arg15 : memref<!tpu.dma_semaphore, #tpu.memory_space<semaphore_mem>>)
    %dma_wait3A_219 = arith.constant 0 : i32
    %dma_wait3A_220 = arith.constant 0 : i32
    %dma_wait3A_221 = tpu.memref_slice %arg5[%dma_wait3A_219, %dma_wait3A_220] : memref<4x2496xi32, #tpu.memory_space<vmem>> -> memref<1x2496xi32, #tpu.memory_space<vmem>>
    %dma_wait3A_222 = tpu.memref_squeeze %dma_wait3A_221 : memref<1x2496xi32, #tpu.memory_space<vmem>> -> memref<2496xi32, #tpu.memory_space<vmem>>
    %dma_wait3A_223 = arith.constant 0 : i32
    %dma_wait3A_224 = arith.constant 0 : i32
    %dma_wait3A_225 = tpu.memref_slice %arg12[%dma_wait3A_223, %dma_wait3A_224] : memref<10000x16xf32, #tpu.memory_space<vmem_shared>> -> memref<10000x16xf32, #tpu.memory_space<vmem_shared>>
    tpu.wait_indirect_dma semaphore(%arg14 : memref<!tpu.dma_semaphore, #tpu.memory_space<semaphore_mem>>) src(%dma_wait3A_225 : memref<10000x16xf32, #tpu.memory_space<vmem_shared>>) dst(%arg8 : memref<2496x16xf32, #tpu.memory_space<vmem>>)
    %run_scoped3A = arith.constant 0 : i32
    "tpu.region"() ({
      %run_scoped3A_269 = tpu.sem_alloc : memref<!tpu.dma_semaphore, #tpu.memory_space<semaphore_mem>>
      %dma_start3A_270 = arith.constant 0 : i32
      %dma_start3A_271 = tpu.memref_slice %arg6[%run_scoped3A, %dma_start3A_270] : memref<4x2496xi32, #tpu.memory_space<vmem>> -> memref<1x2496xi32, #tpu.memory_space<vmem>>
      %dma_start3A_272 = tpu.memref_squeeze %dma_start3A_271 : memref<1x2496xi32, #tpu.memory_space<vmem>> -> memref<2496xi32, #tpu.memory_space<vmem>>
      %dma_start3A_273 = arith.constant 0 : i32
      %dma_start3A_274 = arith.constant 0 : i32
      %dma_start3A_275 = tpu.memref_slice %arg13[%dma_start3A_273, %dma_start3A_274] : memref<10000x16xf32, #tpu.memory_space<vmem_shared>> -> memref<10000x16xf32, #tpu.memory_space<vmem_shared>>
      tpu.enqueue_indirect_dma source(%arg8 : memref<2496x16xf32, #tpu.memory_space<vmem>>) target(%dma_start3A_275 : memref<10000x16xf32, #tpu.memory_space<vmem_shared>>) offsets(%dma_start3A_272 : memref<2496xi32, #tpu.memory_space<vmem>>) semaphore(%run_scoped3A_269 : memref<!tpu.dma_semaphore, #tpu.memory_space<semaphore_mem>>) {add = true}
      %dma_wait3A_276 = arith.constant 0 : i32
      %dma_wait3A_277 = tpu.memref_slice %arg6[%run_scoped3A, %dma_wait3A_276] : memref<4x2496xi32, #tpu.memory_space<vmem>> -> memref<1x2496xi32, #tpu.memory_space<vmem>>
      %dma_wait3A_278 = tpu.memref_squeeze %dma_wait3A_277 : memref<1x2496xi32, #tpu.memory_space<vmem>> -> memref<2496xi32, #tpu.memory_space<vmem>>
      %dma_wait3A_279 = arith.constant 0 : i32
      %dma_wait3A_280 = arith.constant 0 : i32
      %dma_wait3A_281 = tpu.memref_slice %arg13[%dma_wait3A_279, %dma_wait3A_280] : memref<10000x16xf32, #tpu.memory_space<vmem_shared>> -> memref<10000x16xf32, #tpu.memory_space<vmem_shared>>
      tpu.wait_indirect_dma semaphore(%run_scoped3A_269 : memref<!tpu.dma_semaphore, #tpu.memory_space<semaphore_mem>>) src(%arg8 : memref<2496x16xf32, #tpu.memory_space<vmem>>) dst(%dma_wait3A_281 : memref<10000x16xf32, #tpu.memory_space<vmem_shared>>)
      tpu.yield
    }) : () -> ()
    %dma_start3A_226 = arith.constant 2 : i32
    %dma_start3A_227 = arith.constant 0 : i32
    %dma_start3A_228 = tpu.memref_slice %arg5[%dma_start3A_226, %dma_start3A_227] : memref<4x2496xi32, #tpu.memory_space<vmem>> -> memref<1x2496xi32, #tpu.memory_space<vmem>>
    %dma_start3A_229 = tpu.memref_squeeze %dma_start3A_228 : memref<1x2496xi32, #tpu.memory_space<vmem>> -> memref<2496xi32, #tpu.memory_space<vmem>>
    %dma_start3A_230 = arith.constant 0 : i32
    %dma_start3A_231 = arith.constant 0 : i32
    %dma_start3A_232 = tpu.memref_slice %arg12[%dma_start3A_230, %dma_start3A_231] : memref<10000x16xf32, #tpu.memory_space<vmem_shared>> -> memref<10000x16xf32, #tpu.memory_space<vmem_shared>>
    tpu.enqueue_indirect_dma source(%dma_start3A_232 : memref<10000x16xf32, #tpu.memory_space<vmem_shared>>) target(%arg8 : memref<2496x16xf32, #tpu.memory_space<vmem>>) offsets(%dma_start3A_229 : memref<2496xi32, #tpu.memory_space<vmem>>) semaphore(%arg14 : memref<!tpu.dma_semaphore, #tpu.memory_space<semaphore_mem>>)
    %dma_wait3A_233 = arith.constant 1 : i32
    %dma_wait3A_234 = arith.constant 0 : i32
    %dma_wait3A_235 = tpu.memref_slice %arg5[%dma_wait3A_233, %dma_wait3A_234] : memref<4x2496xi32, #tpu.memory_space<vmem>> -> memref<1x2496xi32, #tpu.memory_space<vmem>>
    %dma_wait3A_236 = tpu.memref_squeeze %dma_wait3A_235 : memref<1x2496xi32, #tpu.memory_space<vmem>> -> memref<2496xi32, #tpu.memory_space<vmem>>
    %dma_wait3A_237 = arith.constant 0 : i32
    %dma_wait3A_238 = arith.constant 0 : i32
    %dma_wait3A_239 = tpu.memref_slice %arg12[%dma_wait3A_237, %dma_wait3A_238] : memref<10000x16xf32, #tpu.memory_space<vmem_shared>> -> memref<10000x16xf32, #tpu.memory_space<vmem_shared>>
    tpu.wait_indirect_dma semaphore(%arg15 : memref<!tpu.dma_semaphore, #tpu.memory_space<semaphore_mem>>) src(%dma_wait3A_239 : memref<10000x16xf32, #tpu.memory_space<vmem_shared>>) dst(%arg9 : memref<2496x16xf32, #tpu.memory_space<vmem>>)
    %run_scoped3A_240 = arith.constant 1 : i32
    "tpu.region"() ({
      %run_scoped3A_269 = tpu.sem_alloc : memref<!tpu.dma_semaphore, #tpu.memory_space<semaphore_mem>>
      %dma_start3A_270 = arith.constant 0 : i32
      %dma_start3A_271 = tpu.memref_slice %arg6[%run_scoped3A_240, %dma_start3A_270] : memref<4x2496xi32, #tpu.memory_space<vmem>> -> memref<1x2496xi32, #tpu.memory_space<vmem>>
      %dma_start3A_272 = tpu.memref_squeeze %dma_start3A_271 : memref<1x2496xi32, #tpu.memory_space<vmem>> -> memref<2496xi32, #tpu.memory_space<vmem>>
      %dma_start3A_273 = arith.constant 0 : i32
      %dma_start3A_274 = arith.constant 0 : i32
      %dma_start3A_275 = tpu.memref_slice %arg13[%dma_start3A_273, %dma_start3A_274] : memref<10000x16xf32, #tpu.memory_space<vmem_shared>> -> memref<10000x16xf32, #tpu.memory_space<vmem_shared>>
      tpu.enqueue_indirect_dma source(%arg9 : memref<2496x16xf32, #tpu.memory_space<vmem>>) target(%dma_start3A_275 : memref<10000x16xf32, #tpu.memory_space<vmem_shared>>) offsets(%dma_start3A_272 : memref<2496xi32, #tpu.memory_space<vmem>>) semaphore(%run_scoped3A_269 : memref<!tpu.dma_semaphore, #tpu.memory_space<semaphore_mem>>) {add = true}
      %dma_wait3A_276 = arith.constant 0 : i32
      %dma_wait3A_277 = tpu.memref_slice %arg6[%run_scoped3A_240, %dma_wait3A_276] : memref<4x2496xi32, #tpu.memory_space<vmem>> -> memref<1x2496xi32, #tpu.memory_space<vmem>>
      %dma_wait3A_278 = tpu.memref_squeeze %dma_wait3A_277 : memref<1x2496xi32, #tpu.memory_space<vmem>> -> memref<2496xi32, #tpu.memory_space<vmem>>
      %dma_wait3A_279 = arith.constant 0 : i32
      %dma_wait3A_280 = arith.constant 0 : i32
      %dma_wait3A_281 = tpu.memref_slice %arg13[%dma_wait3A_279, %dma_wait3A_280] : memref<10000x16xf32, #tpu.memory_space<vmem_shared>> -> memref<10000x16xf32, #tpu.memory_space<vmem_shared>>
      tpu.wait_indirect_dma semaphore(%run_scoped3A_269 : memref<!tpu.dma_semaphore, #tpu.memory_space<semaphore_mem>>) src(%arg9 : memref<2496x16xf32, #tpu.memory_space<vmem>>) dst(%dma_wait3A_281 : memref<10000x16xf32, #tpu.memory_space<vmem_shared>>)
      tpu.yield
    }) : () -> ()
    %dma_start3A_241 = arith.constant 3 : i32
    %dma_start3A_242 = arith.constant 0 : i32
    %dma_start3A_243 = tpu.memref_slice %arg5[%dma_start3A_241, %dma_start3A_242] : memref<4x2496xi32, #tpu.memory_space<vmem>> -> memref<1x2496xi32, #tpu.memory_space<vmem>>
    %dma_start3A_244 = tpu.memref_squeeze %dma_start3A_243 : memref<1x2496xi32, #tpu.memory_space<vmem>> -> memref<2496xi32, #tpu.memory_space<vmem>>
    %dma_start3A_245 = arith.constant 0 : i32
    %dma_start3A_246 = arith.constant 0 : i32
    %dma_start3A_247 = tpu.memref_slice %arg12[%dma_start3A_245, %dma_start3A_246] : memref<10000x16xf32, #tpu.memory_space<vmem_shared>> -> memref<10000x16xf32, #tpu.memory_space<vmem_shared>>
    tpu.enqueue_indirect_dma source(%dma_start3A_247 : memref<10000x16xf32, #tpu.memory_space<vmem_shared>>) target(%arg9 : memref<2496x16xf32, #tpu.memory_space<vmem>>) offsets(%dma_start3A_244 : memref<2496xi32, #tpu.memory_space<vmem>>) semaphore(%arg15 : memref<!tpu.dma_semaphore, #tpu.memory_space<semaphore_mem>>)
    %dma_wait3A_248 = arith.constant 2 : i32
    %dma_wait3A_249 = arith.constant 0 : i32
    %dma_wait3A_250 = tpu.memref_slice %arg5[%dma_wait3A_248, %dma_wait3A_249] : memref<4x2496xi32, #tpu.memory_space<vmem>> -> memref<1x2496xi32, #tpu.memory_space<vmem>>
    %dma_wait3A_251 = tpu.memref_squeeze %dma_wait3A_250 : memref<1x2496xi32, #tpu.memory_space<vmem>> -> memref<2496xi32, #tpu.memory_space<vmem>>
    %dma_wait3A_252 = arith.constant 0 : i32
    %dma_wait3A_253 = arith.constant 0 : i32
    %dma_wait3A_254 = tpu.memref_slice %arg12[%dma_wait3A_252, %dma_wait3A_253] : memref<10000x16xf32, #tpu.memory_space<vmem_shared>> -> memref<10000x16xf32, #tpu.memory_space<vmem_shared>>
    tpu.wait_indirect_dma semaphore(%arg14 : memref<!tpu.dma_semaphore, #tpu.memory_space<semaphore_mem>>) src(%dma_wait3A_254 : memref<10000x16xf32, #tpu.memory_space<vmem_shared>>) dst(%arg8 : memref<2496x16xf32, #tpu.memory_space<vmem>>)
    %run_scoped3A_255 = arith.constant 2 : i32
    "tpu.region"() ({
      %run_scoped3A_269 = tpu.sem_alloc : memref<!tpu.dma_semaphore, #tpu.memory_space<semaphore_mem>>
      %dma_start3A_270 = arith.constant 0 : i32
      %dma_start3A_271 = tpu.memref_slice %arg6[%run_scoped3A_255, %dma_start3A_270] : memref<4x2496xi32, #tpu.memory_space<vmem>> -> memref<1x2496xi32, #tpu.memory_space<vmem>>
      %dma_start3A_272 = tpu.memref_squeeze %dma_start3A_271 : memref<1x2496xi32, #tpu.memory_space<vmem>> -> memref<2496xi32, #tpu.memory_space<vmem>>
      %dma_start3A_273 = arith.constant 0 : i32
      %dma_start3A_274 = arith.constant 0 : i32
      %dma_start3A_275 = tpu.memref_slice %arg13[%dma_start3A_273, %dma_start3A_274] : memref<10000x16xf32, #tpu.memory_space<vmem_shared>> -> memref<10000x16xf32, #tpu.memory_space<vmem_shared>>
      tpu.enqueue_indirect_dma source(%arg8 : memref<2496x16xf32, #tpu.memory_space<vmem>>) target(%dma_start3A_275 : memref<10000x16xf32, #tpu.memory_space<vmem_shared>>) offsets(%dma_start3A_272 : memref<2496xi32, #tpu.memory_space<vmem>>) semaphore(%run_scoped3A_269 : memref<!tpu.dma_semaphore, #tpu.memory_space<semaphore_mem>>) {add = true}
      %dma_wait3A_276 = arith.constant 0 : i32
      %dma_wait3A_277 = tpu.memref_slice %arg6[%run_scoped3A_255, %dma_wait3A_276] : memref<4x2496xi32, #tpu.memory_space<vmem>> -> memref<1x2496xi32, #tpu.memory_space<vmem>>
      %dma_wait3A_278 = tpu.memref_squeeze %dma_wait3A_277 : memref<1x2496xi32, #tpu.memory_space<vmem>> -> memref<2496xi32, #tpu.memory_space<vmem>>
      %dma_wait3A_279 = arith.constant 0 : i32
      %dma_wait3A_280 = arith.constant 0 : i32
      %dma_wait3A_281 = tpu.memref_slice %arg13[%dma_wait3A_279, %dma_wait3A_280] : memref<10000x16xf32, #tpu.memory_space<vmem_shared>> -> memref<10000x16xf32, #tpu.memory_space<vmem_shared>>
      tpu.wait_indirect_dma semaphore(%run_scoped3A_269 : memref<!tpu.dma_semaphore, #tpu.memory_space<semaphore_mem>>) src(%arg8 : memref<2496x16xf32, #tpu.memory_space<vmem>>) dst(%dma_wait3A_281 : memref<10000x16xf32, #tpu.memory_space<vmem_shared>>)
      tpu.yield
    }) : () -> ()
    %dma_wait3A_256 = arith.constant 3 : i32
    %dma_wait3A_257 = arith.constant 0 : i32
    %dma_wait3A_258 = tpu.memref_slice %arg5[%dma_wait3A_256, %dma_wait3A_257] : memref<4x2496xi32, #tpu.memory_space<vmem>> -> memref<1x2496xi32, #tpu.memory_space<vmem>>
    %dma_wait3A_259 = tpu.memref_squeeze %dma_wait3A_258 : memref<1x2496xi32, #tpu.memory_space<vmem>> -> memref<2496xi32, #tpu.memory_space<vmem>>
    %dma_wait3A_260 = arith.constant 0 : i32
    %dma_wait3A_261 = arith.constant 0 : i32
    %dma_wait3A_262 = tpu.memref_slice %arg12[%dma_wait3A_260, %dma_wait3A_261] : memref<10000x16xf32, #tpu.memory_space<vmem_shared>> -> memref<10000x16xf32, #tpu.memory_space<vmem_shared>>
    tpu.wait_indirect_dma semaphore(%arg15 : memref<!tpu.dma_semaphore, #tpu.memory_space<semaphore_mem>>) src(%dma_wait3A_262 : memref<10000x16xf32, #tpu.memory_space<vmem_shared>>) dst(%arg9 : memref<2496x16xf32, #tpu.memory_space<vmem>>)
    %run_scoped3A_263 = arith.constant 3 : i32
    "tpu.region"() ({
      %run_scoped3A_269 = tpu.sem_alloc : memref<!tpu.dma_semaphore, #tpu.memory_space<semaphore_mem>>
      %dma_start3A_270 = arith.constant 0 : i32
      %dma_start3A_271 = tpu.memref_slice %arg6[%run_scoped3A_263, %dma_start3A_270] : memref<4x2496xi32, #tpu.memory_space<vmem>> -> memref<1x2496xi32, #tpu.memory_space<vmem>>
      %dma_start3A_272 = tpu.memref_squeeze %dma_start3A_271 : memref<1x2496xi32, #tpu.memory_space<vmem>> -> memref<2496xi32, #tpu.memory_space<vmem>>
      %dma_start3A_273 = arith.constant 0 : i32
      %dma_start3A_274 = arith.constant 0 : i32
      %dma_start3A_275 = tpu.memref_slice %arg13[%dma_start3A_273, %dma_start3A_274] : memref<10000x16xf32, #tpu.memory_space<vmem_shared>> -> memref<10000x16xf32, #tpu.memory_space<vmem_shared>>
      tpu.enqueue_indirect_dma source(%arg9 : memref<2496x16xf32, #tpu.memory_space<vmem>>) target(%dma_start3A_275 : memref<10000x16xf32, #tpu.memory_space<vmem_shared>>) offsets(%dma_start3A_272 : memref<2496xi32, #tpu.memory_space<vmem>>) semaphore(%run_scoped3A_269 : memref<!tpu.dma_semaphore, #tpu.memory_space<semaphore_mem>>) {add = true}
      %dma_wait3A_276 = arith.constant 0 : i32
      %dma_wait3A_277 = tpu.memref_slice %arg6[%run_scoped3A_263, %dma_wait3A_276] : memref<4x2496xi32, #tpu.memory_space<vmem>> -> memref<1x2496xi32, #tpu.memory_space<vmem>>
      %dma_wait3A_278 = tpu.memref_squeeze %dma_wait3A_277 : memref<1x2496xi32, #tpu.memory_space<vmem>> -> memref<2496xi32, #tpu.memory_space<vmem>>
      %dma_wait3A_279 = arith.constant 0 : i32
      %dma_wait3A_280 = arith.constant 0 : i32
      %dma_wait3A_281 = tpu.memref_slice %arg13[%dma_wait3A_279, %dma_wait3A_280] : memref<10000x16xf32, #tpu.memory_space<vmem_shared>> -> memref<10000x16xf32, #tpu.memory_space<vmem_shared>>
      tpu.wait_indirect_dma semaphore(%run_scoped3A_269 : memref<!tpu.dma_semaphore, #tpu.memory_space<semaphore_mem>>) src(%arg9 : memref<2496x16xf32, #tpu.memory_space<vmem>>) dst(%dma_wait3A_281 : memref<10000x16xf32, #tpu.memory_space<vmem_shared>>)
      tpu.yield
    }) : () -> ()
    %barrier3A_264 = arith.constant 0 : index
    tpu.barrier barrier_id(%barrier3A_264)
    %mul3A_265 = arith.constant 625 : i32
    %mul3A_266 = arith.muli %arg1, %mul3A_265 : i32
    %mul3A_267 = arith.constant 625 : i32
    %mul3A_268 = arith.muli %arg1, %mul3A_267 : i32
    "tpu.region"() ({
      %run_scoped3A_269 = tpu.sem_alloc : memref<!tpu.dma_semaphore, #tpu.memory_space<semaphore_mem>>
      %dma_start3A_270 = arith.constant 0 : i32
      %dma_start3A_271 = tpu.memref_slice %arg4[%arg0, %mul3A_268, %dma_start3A_270] : memref<2x10000x16xf32, #tpu.memory_space<hbm>> -> memref<1x625x16xf32, #tpu.memory_space<hbm>>
      %dma_start3A_272 = tpu.memref_squeeze %dma_start3A_271 : memref<1x625x16xf32, #tpu.memory_space<hbm>> -> memref<625x16xf32, #tpu.memory_space<hbm>>
      %dma_start3A_273 = arith.constant 0 : i32
      %dma_start3A_274 = tpu.memref_slice %arg13[%mul3A_266, %dma_start3A_273] : memref<10000x16xf32, #tpu.memory_space<vmem_shared>> -> memref<625x16xf32, #tpu.memory_space<vmem_shared>>
      tpu.enqueue_dma source(%dma_start3A_274 : memref<625x16xf32, #tpu.memory_space<vmem_shared>>) target(%dma_start3A_272 : memref<625x16xf32, #tpu.memory_space<hbm>>) target_semaphore(%run_scoped3A_269 : memref<!tpu.dma_semaphore, #tpu.memory_space<semaphore_mem>>)
      %dma_wait3A_275 = arith.constant 0 : i32
      %dma_wait3A_276 = tpu.memref_slice %arg4[%arg0, %mul3A_268, %dma_wait3A_275] : memref<2x10000x16xf32, #tpu.memory_space<hbm>> -> memref<1x625x16xf32, #tpu.memory_space<hbm>>
      %dma_wait3A_277 = tpu.memref_squeeze %dma_wait3A_276 : memref<1x625x16xf32, #tpu.memory_space<hbm>> -> memref<625x16xf32, #tpu.memory_space<hbm>>
      %dma_wait3A_278 = arith.constant 0 : i32
      %dma_wait3A_279 = tpu.memref_slice %arg13[%mul3A_266, %dma_wait3A_278] : memref<10000x16xf32, #tpu.memory_space<vmem_shared>> -> memref<625x16xf32, #tpu.memory_space<vmem_shared>>
      tpu.wait_dma2 semaphore(%run_scoped3A_269 : memref<!tpu.dma_semaphore, #tpu.memory_space<semaphore_mem>>) src(%dma_wait3A_279 : memref<625x16xf32, #tpu.memory_space<vmem_shared>>) dst(%dma_wait3A_277 : memref<625x16xf32, #tpu.memory_space<hbm>>)
      tpu.yield
    }) : () -> ()
    return
  }
}

module attributes {stable_mosaic.version = 14 : i64} {
  func.func @body(%arg0: i32, %arg1: memref<2048x128xf32, #tpu.memory_space<vmem>>, %arg2: memref<1024x128xf32, #tpu.memory_space<vmem>>, %arg3: memref<256x128xf32, #tpu.memory_space<vmem>>) attributes {dimension_semantics = [#tpu.dimension_semantics<arbitrary>], iteration_bounds = array<i64: 5>, scalar_prefetch = 0 : i64, scratch_operands = 0 : i64, tpu.core_type = #tpu.core_type<tc>, window_params = [{transform_indices = @transform_0, window_bounds = array<i64: 2048, 128>}, {pipeline_mode = #tpu.pipeline_mode<synchronous>, transform_indices = @transform_1, window_bounds = array<i64: 1024, 128>}, {transform_indices = @transform_2, window_bounds = array<i64: 256, 128>}]} {
    %get3A = arith.constant 0 : index
    %get3A_0 = arith.constant 0 : index
    %get3A_1 = vector.load %arg1[%get3A, %get3A_0] : memref<2048x128xf32, #tpu.memory_space<vmem>>, vector<2048x128xf32>
    %reshape3A = vector.shape_cast %get3A_1 : vector<2048x128xf32> to vector<256x1024xf32>
    %get3A_2 = arith.constant 0 : index
    %get3A_3 = arith.constant 0 : index
    %get3A_4 = vector.load %arg2[%get3A_2, %get3A_3] : memref<1024x128xf32, #tpu.memory_space<vmem>>, vector<1024x128xf32>
    %dot_general3A = arith.constant dense<0.000000e+00> : vector<256x128xf32>
    %dot_general3A_5 = tpu.matmul %reshape3A, %get3A_4, %dot_general3A {dimension_numbers = #tpu.dot_dimension_numbers<[1], [0], [0], [1], [0, 0, 1, 1], [], []>, transpose_lhs_hint = false} : vector<256x1024xf32>, vector<1024x128xf32>, vector<256x128xf32> -> vector<256x128xf32>
    %swap3A = arith.constant 0 : index
    %swap3A_6 = arith.constant 0 : index
    %swap3A_7 = vector.load %arg3[%swap3A, %swap3A_6] : memref<256x128xf32, #tpu.memory_space<vmem>>, vector<256x128xf32>
    tpu.vector_store %arg3[%swap3A, %swap3A_6], %dot_general3A_5 {strides = array<i32>} : memref<256x128xf32, #tpu.memory_space<vmem>>, vector<256x128xf32>,
    return
  }
  func.func @transform_0(%arg0: i32) -> (i32, i32) {
    %c0_i32 = arith.constant 0 : i32
    %c0_i32_0 = arith.constant 0 : i32
    return %arg0, %c0_i32 : i32, i32
  }
  func.func @transform_1(%arg0: i32) -> (i32, i32) {
    %c0_i32 = arith.constant 0 : i32
    %c0_i32_0 = arith.constant 0 : i32
    %c0_i32_1 = arith.constant 0 : i32
    return %c0_i32, %c0_i32_0 : i32, i32
  }
  func.func @transform_2(%arg0: i32) -> (i32, i32) {
    %c0_i32 = arith.constant 0 : i32
    %c0_i32_0 = arith.constant 0 : i32
    return %arg0, %c0_i32 : i32, i32
  }
}

module attributes {stable_mosaic.version = 14 : i64} {
  func.func @body(%arg0: i32, %arg1: memref<256x128xf32, #tpu.memory_space<vmem>>, %arg2: memref<2x256x128xf32, #tpu.memory_space<vmem>>, %arg3: memref<1x128xf32, #tpu.memory_space<vmem>>, %arg4: memref<128x128xf32, #tpu.memory_space<vmem>>, %arg5: memref<1x128xf32, #tpu.memory_space<vmem>>, %arg6: memref<256x128xf32, #tpu.memory_space<vmem>>) attributes {dimension_semantics = [#tpu.dimension_semantics<arbitrary>], iteration_bounds = array<i64: 5>, scalar_prefetch = 0 : i64, scratch_operands = 0 : i64, tpu.core_type = #tpu.core_type<tc>, window_params = [{transform_indices = @transform_0, window_bounds = array<i64: 256, 128>}, {transform_indices = @transform_1, window_bounds = array<i64: 2, 256, 128>}, {pipeline_mode = #tpu.pipeline_mode<synchronous>, transform_indices = @transform_2, window_bounds = array<i64: 1, 128>}, {pipeline_mode = #tpu.pipeline_mode<synchronous>, transform_indices = @transform_3, window_bounds = array<i64: 128, 128>}, {pipeline_mode = #tpu.pipeline_mode<synchronous>, transform_indices = @transform_4, window_bounds = array<i64: 1, 128>}, {transform_indices = @transform_5, window_bounds = array<i64: 256, 128>}]} {
    %get3A = arith.constant 0 : index
    %get3A_0 = arith.constant 0 : index
    %get3A_1 = vector.load %arg1[%get3A, %get3A_0] : memref<256x128xf32, #tpu.memory_space<vmem>>, vector<256x128xf32>
    %get3A_2 = arith.constant 0 : index
    %get3A_3 = arith.constant 0 : index
    %get3A_4 = arith.constant 0 : index
    %get3A_5 = vector.load %arg2[%get3A_2, %get3A_3, %get3A_4] : memref<2x256x128xf32, #tpu.memory_space<vmem>>, vector<1x256x128xf32>
    %get3A_6 = vector.shape_cast %get3A_5 : vector<1x256x128xf32> to vector<256x128xf32>
    %add3A = arith.addf %get3A_1, %get3A_6 : vector<256x128xf32>
    %get3A_7 = arith.constant 1 : index
    %get3A_8 = arith.constant 0 : index
    %get3A_9 = arith.constant 0 : index
    %get3A_10 = vector.load %arg2[%get3A_7, %get3A_8, %get3A_9] : memref<2x256x128xf32, #tpu.memory_space<vmem>>, vector<1x256x128xf32>
    %get3A_11 = vector.shape_cast %get3A_10 : vector<1x256x128xf32> to vector<256x128xf32>
    %add3A_12 = arith.addf %add3A, %get3A_11 : vector<256x128xf32>
    %get3A_13 = arith.constant 0 : index
    %get3A_14 = arith.constant 0 : index
    %get3A_15 = vector.load %arg3[%get3A_13, %get3A_14] : memref<1x128xf32, #tpu.memory_space<vmem>>, vector<1x128xf32>
    %add3A_16 = vector.broadcast %get3A_15 : vector<1x128xf32> to vector<256x128xf32>
    %add3A_17 = arith.addf %add3A_12, %add3A_16 : vector<256x128xf32>
    %max3A = arith.constant 0.000000e+00 : f32
    %max3A_18 = vector.broadcast %max3A : f32 to vector<256x128xf32>
    %max3A_19 = arith.maximumf %add3A_17, %max3A_18 : vector<256x128xf32>
    %get3A_20 = arith.constant 0 : index
    %get3A_21 = arith.constant 0 : index
    %get3A_22 = vector.load %arg4[%get3A_20, %get3A_21] : memref<128x128xf32, #tpu.memory_space<vmem>>, vector<128x128xf32>
    %dot_general3A = arith.constant dense<0.000000e+00> : vector<256x128xf32>
    %dot_general3A_23 = tpu.matmul %max3A_19, %get3A_22, %dot_general3A {dimension_numbers = #tpu.dot_dimension_numbers<[1], [0], [0], [1], [0, 0, 1, 1], [], []>, transpose_lhs_hint = false} : vector<256x128xf32>, vector<128x128xf32>, vector<256x128xf32> -> vector<256x128xf32>
    %get3A_24 = arith.constant 0 : index
    %get3A_25 = arith.constant 0 : index
    %get3A_26 = vector.load %arg5[%get3A_24, %get3A_25] : memref<1x128xf32, #tpu.memory_space<vmem>>, vector<1x128xf32>
    %add3A_27 = vector.broadcast %get3A_26 : vector<1x128xf32> to vector<256x128xf32>
    %add3A_28 = arith.addf %dot_general3A_23, %add3A_27 : vector<256x128xf32>
    %max3A_29 = arith.constant 0.000000e+00 : f32
    %max3A_30 = vector.broadcast %max3A_29 : f32 to vector<256x128xf32>
    %max3A_31 = arith.maximumf %add3A_28, %max3A_30 : vector<256x128xf32>
    %swap3A = arith.constant 0 : index
    %swap3A_32 = arith.constant 0 : index
    %swap3A_33 = vector.load %arg6[%swap3A, %swap3A_32] : memref<256x128xf32, #tpu.memory_space<vmem>>, vector<256x128xf32>
    tpu.vector_store %arg6[%swap3A, %swap3A_32], %max3A_31 {strides = array<i32>} : memref<256x128xf32, #tpu.memory_space<vmem>>, vector<256x128xf32>,
    return
  }
  func.func @transform_0(%arg0: i32) -> (i32, i32) {
    %c0_i32 = arith.constant 0 : i32
    %c0_i32_0 = arith.constant 0 : i32
    return %arg0, %c0_i32 : i32, i32
  }
  func.func @transform_1(%arg0: i32) -> (i32, i32, i32) {
    %c0_i32 = arith.constant 0 : i32
    %c0_i32_0 = arith.constant 0 : i32
    %c0_i32_1 = arith.constant 0 : i32
    return %c0_i32, %arg0, %c0_i32_0 : i32, i32, i32
  }
  func.func @transform_2(%arg0: i32) -> (i32, i32) {
    %c0_i32 = arith.constant 0 : i32
    %c0_i32_0 = arith.constant 0 : i32
    %c0_i32_1 = arith.constant 0 : i32
    return %c0_i32, %c0_i32_0 : i32, i32
  }
  func.func @transform_3(%arg0: i32) -> (i32, i32) {
    %c0_i32 = arith.constant 0 : i32
    %c0_i32_0 = arith.constant 0 : i32
    %c0_i32_1 = arith.constant 0 : i32
    return %c0_i32, %c0_i32_0 : i32, i32
  }
  func.func @transform_4(%arg0: i32) -> (i32, i32) {
    %c0_i32 = arith.constant 0 : i32
    %c0_i32_0 = arith.constant 0 : i32
    %c0_i32_1 = arith.constant 0 : i32
    return %c0_i32, %c0_i32_0 : i32, i32
  }
  func.func @transform_5(%arg0: i32) -> (i32, i32) {
    %c0_i32 = arith.constant 0 : i32
    %c0_i32_0 = arith.constant 0 : i32
    return %arg0, %c0_i32 : i32, i32
  }
}

module attributes {stable_mosaic.version = 14 : i64} {
  func.func @body(%arg0: i32, %arg1: memref<256x128xf32, #tpu.memory_space<vmem>>, %arg2: memref<2x256x128xf32, #tpu.memory_space<vmem>>, %arg3: memref<128x1024xf32, #tpu.memory_space<vmem>>, %arg4: memref<1x128xf32, #tpu.memory_space<vmem>>, %arg5: memref<128x128xf32, #tpu.memory_space<vmem>>, %arg6: memref<1x128xf32, #tpu.memory_space<vmem>>, %arg7: memref<2048x128xf32, #tpu.memory_space<vmem>>) attributes {dimension_semantics = [#tpu.dimension_semantics<arbitrary>], iteration_bounds = array<i64: 5>, scalar_prefetch = 0 : i64, scratch_operands = 0 : i64, tpu.core_type = #tpu.core_type<tc>, window_params = [{transform_indices = @transform_0, window_bounds = array<i64: 256, 128>}, {transform_indices = @transform_1, window_bounds = array<i64: 2, 256, 128>}, {pipeline_mode = #tpu.pipeline_mode<synchronous>, transform_indices = @transform_2, window_bounds = array<i64: 128, 1024>}, {pipeline_mode = #tpu.pipeline_mode<synchronous>, transform_indices = @transform_3, window_bounds = array<i64: 1, 128>}, {pipeline_mode = #tpu.pipeline_mode<synchronous>, transform_indices = @transform_4, window_bounds = array<i64: 128, 128>}, {pipeline_mode = #tpu.pipeline_mode<synchronous>, transform_indices = @transform_5, window_bounds = array<i64: 1, 128>}, {transform_indices = @transform_6, window_bounds = array<i64: 2048, 128>}]} {
    %get3A = arith.constant 0 : index
    %get3A_0 = arith.constant 0 : index
    %get3A_1 = vector.load %arg1[%get3A, %get3A_0] : memref<256x128xf32, #tpu.memory_space<vmem>>, vector<256x128xf32>
    %get3A_2 = arith.constant 0 : index
    %get3A_3 = arith.constant 0 : index
    %get3A_4 = arith.constant 0 : index
    %get3A_5 = vector.load %arg2[%get3A_2, %get3A_3, %get3A_4] : memref<2x256x128xf32, #tpu.memory_space<vmem>>, vector<1x256x128xf32>
    %get3A_6 = vector.shape_cast %get3A_5 : vector<1x256x128xf32> to vector<256x128xf32>
    %add3A = arith.addf %get3A_1, %get3A_6 : vector<256x128xf32>
    %get3A_7 = arith.constant 1 : index
    %get3A_8 = arith.constant 0 : index
    %get3A_9 = arith.constant 0 : index
    %get3A_10 = vector.load %arg2[%get3A_7, %get3A_8, %get3A_9] : memref<2x256x128xf32, #tpu.memory_space<vmem>>, vector<1x256x128xf32>
    %get3A_11 = vector.shape_cast %get3A_10 : vector<1x256x128xf32> to vector<256x128xf32>
    %add3A_12 = arith.addf %add3A, %get3A_11 : vector<256x128xf32>
    %get3A_13 = arith.constant 0 : index
    %get3A_14 = arith.constant 0 : index
    %get3A_15 = vector.load %arg3[%get3A_13, %get3A_14] : memref<128x1024xf32, #tpu.memory_space<vmem>>, vector<128x1024xf32>
    %dot_general3A = arith.constant dense<0.000000e+00> : vector<256x1024xf32>
    %dot_general3A_16 = tpu.matmul %add3A_12, %get3A_15, %dot_general3A {dimension_numbers = #tpu.dot_dimension_numbers<[1], [0], [0], [1], [0, 0, 1, 1], [], []>, transpose_lhs_hint = false} : vector<256x128xf32>, vector<128x1024xf32>, vector<256x1024xf32> -> vector<256x1024xf32>
    %reshape3A = vector.shape_cast %dot_general3A_16 : vector<256x1024xf32> to vector<2048x128xf32>
    %get3A_17 = arith.constant 0 : index
    %get3A_18 = arith.constant 0 : index
    %get3A_19 = vector.load %arg4[%get3A_17, %get3A_18] : memref<1x128xf32, #tpu.memory_space<vmem>>, vector<1x128xf32>
    %add3A_20 = vector.broadcast %get3A_19 : vector<1x128xf32> to vector<2048x128xf32>
    %add3A_21 = arith.addf %reshape3A, %add3A_20 : vector<2048x128xf32>
    %max3A = arith.constant 0.000000e+00 : f32
    %max3A_22 = vector.broadcast %max3A : f32 to vector<2048x128xf32>
    %max3A_23 = arith.maximumf %add3A_21, %max3A_22 : vector<2048x128xf32>
    %get3A_24 = arith.constant 0 : index
    %get3A_25 = arith.constant 0 : index
    %get3A_26 = vector.load %arg5[%get3A_24, %get3A_25] : memref<128x128xf32, #tpu.memory_space<vmem>>, vector<128x128xf32>
    %dot_general3A_27 = arith.constant dense<0.000000e+00> : vector<2048x128xf32>
    %dot_general3A_28 = tpu.matmul %max3A_23, %get3A_26, %dot_general3A_27 {dimension_numbers = #tpu.dot_dimension_numbers<[1], [0], [0], [1], [0, 0, 1, 1], [], []>, transpose_lhs_hint = false} : vector<2048x128xf32>, vector<128x128xf32>, vector<2048x128xf32> -> vector<2048x128xf32>
    %get3A_29 = arith.constant 0 : index
    %get3A_30 = arith.constant 0 : index
    %get3A_31 = vector.load %arg6[%get3A_29, %get3A_30] : memref<1x128xf32, #tpu.memory_space<vmem>>, vector<1x128xf32>
    %add3A_32 = vector.broadcast %get3A_31 : vector<1x128xf32> to vector<2048x128xf32>
    %add3A_33 = arith.addf %dot_general3A_28, %add3A_32 : vector<2048x128xf32>
    %swap3A = arith.constant 0 : index
    %swap3A_34 = arith.constant 0 : index
    %swap3A_35 = vector.load %arg7[%swap3A, %swap3A_34] : memref<2048x128xf32, #tpu.memory_space<vmem>>, vector<2048x128xf32>
    tpu.vector_store %arg7[%swap3A, %swap3A_34], %add3A_33 {strides = array<i32>} : memref<2048x128xf32, #tpu.memory_space<vmem>>, vector<2048x128xf32>,
    return
  }
  func.func @transform_0(%arg0: i32) -> (i32, i32) {
    %c0_i32 = arith.constant 0 : i32
    %c0_i32_0 = arith.constant 0 : i32
    return %arg0, %c0_i32 : i32, i32
  }
  func.func @transform_1(%arg0: i32) -> (i32, i32, i32) {
    %c0_i32 = arith.constant 0 : i32
    %c0_i32_0 = arith.constant 0 : i32
    %c0_i32_1 = arith.constant 0 : i32
    return %c0_i32, %arg0, %c0_i32_0 : i32, i32, i32
  }
  func.func @transform_2(%arg0: i32) -> (i32, i32) {
    %c0_i32 = arith.constant 0 : i32
    %c0_i32_0 = arith.constant 0 : i32
    %c0_i32_1 = arith.constant 0 : i32
    return %c0_i32, %c0_i32_0 : i32, i32
  }
  func.func @transform_3(%arg0: i32) -> (i32, i32) {
    %c0_i32 = arith.constant 0 : i32
    %c0_i32_0 = arith.constant 0 : i32
    %c0_i32_1 = arith.constant 0 : i32
    return %c0_i32, %c0_i32_0 : i32, i32
  }
  func.func @transform_4(%arg0: i32) -> (i32, i32) {
    %c0_i32 = arith.constant 0 : i32
    %c0_i32_0 = arith.constant 0 : i32
    %c0_i32_1 = arith.constant 0 : i32
    return %c0_i32, %c0_i32_0 : i32, i32
  }
  func.func @transform_5(%arg0: i32) -> (i32, i32) {
    %c0_i32 = arith.constant 0 : i32
    %c0_i32_0 = arith.constant 0 : i32
    %c0_i32_1 = arith.constant 0 : i32
    return %c0_i32, %c0_i32_0 : i32, i32
  }
  func.func @transform_6(%arg0: i32) -> (i32, i32) {
    %c0_i32 = arith.constant 0 : i32
    %c0_i32_0 = arith.constant 0 : i32
    return %arg0, %c0_i32 : i32, i32
  }
}

</mosaic_0001>

<sc_bundles>
// kernel: kernel.10.cloned.1.call-start
scs
__scs_entry_jumppad:
0x0: {  	(pc) =	sbr.rel $0x88, $3  }
0x1: {  	(tag) =	ssettag $0x0;
	lr =	simm.s32 $0x1  }
0x2: {  	[smem:$0x3F97] =	sst lr;
	_ =	strace $0xD0000000  }
0x3: {  	_ = 	snop  }
0x4: {  	_ = 	snop  }
0x5: {  	_ = 	snop  }
0x6: {  	_ = 	snop  }
0x7: {  	_ = 	snop  }
__scs_overlays_trampoline_lowered:
0x8: {  	[smem:$0x3FA6] =	sst s0  }
0x9: {  	[smem:$0x3FA7] =	sst s1  }
0xa: {  	[smem:$0x3FA8] =	sst s2  }
0xb: {  	[smem:$0x3FA9] =	sst s3  }
0xc: {  	[smem:$0x3FAA] =	sst s4  }
0xd: {  	[smem:$0x3FAB] =	sst s5  }
0xe: {  	[smem:$0x3FAC] =	sst s6  }
0xf: {  	[smem:$0x3FAD] =	sst s7  }
0x10: {  	[smem:$0x3FAE] =	sst s8  }
0x11: {  	[smem:$0x3FAF] =	sst s9;
	s0 =	simm.s32 @!p0 $0x0  }
0x12: {  	s1 =	sld [smem:$0x3F95];
	s0 =	simm.s32 @p0 $0x1  }
0x13: {  	[smem:$0x3FB0] =	sst s0;
	s0 =	simm.s32 @!p1 $0x0  }
0x14: {  	s2 =	sld [smem:$0x3F94];
	s0 =	simm.s32 @p1 $0x1  }
0x15: {  	[smem:$0x3FB1] =	sst s0;
	s0 =	simm.s32 @!p2 $0x0  }
0x16: {  	s3 =	sld [smem:$0x3FDB];
	s0 =	simm.s32 @p2 $0x1  }
0x17: {  	s4 =	simm.s32 $0x1BF5;
	[smem:$0x3FB3] =	sst s0  }
0x18: {  	s0 =	sld [smem:$0x3F96];
	_ =	swait.ge [sflag:s4], $0x0  }
0x19: {  	s7 =	sld [smem:$0x3F97]  }
0x1a: {  	s8 =	sadd.s32 $0xFFFFE003, lr  }
0x1b: {  	s9 =	sadd.s32 $0xFFFFFEF7, lr;
	s5 =	simm.s32 $0xFFFFFFFF;
	p2 =	slt.u32 s8, $0xFFFFF086  }
0x1c: {  	p1 =	slt.u32 s9, $0xF7A;
	s5 =	simm.s32 @!p2 $0x0  }
0x1d: {  	s5 =	simm.s32 @p1 $0x1;
	p0 =	seq.s32 s7, s2  }
0x1e: {  	s7 =	smul.u32 @!p0 $0xF7A, s2;
	p2 =	seq.s32 @!p0 s5, $0x0  }
0x1f: {  	s9 =	smul.u32 $0xF7A, s1;
	s8 =	simm.s32 @!p0 $0x1BF5;
	p2 =	por !p2, p0  }
0x20: {  	[sflag:s8] =	ssyncset.s32 @!p0 $0xFFFFF086;
	s6 =	sadd.s32 @!p0 s3, s7;
	s7 =	simm.s32 @!p0 $0x108  }
0x21: {  	s3 =	sadd.s32 s3, s9;
	s6 =	sadd.s32 @!p0 $0x88, s6;
	s7 =	simm.s32 @p2 $0x1082  }
0x22: {  	[simem:s7], [sflag:s8] =	dma.local @!p0 [hbm:s6], $0xF7A  }
0x23: {  	s9 =	sor.u32 $0xD0000000, s2;
	s6 =	simm.s32 $0x108;
	_ =	swait.ge @!p0 [sflag:s8], $0x0  }
0x24: {  	s3 =	sadd.s32 $0x88, s3;
	s6 =	simm.s32 @!p1 $0x1082;
	[sflag:s4] =	ssyncset.s32 $0xFFFFF086  }
0x25: {  	[simem:s6], [sflag:s4] =	dma.local [hbm:s3], $0xF7A  }
0x26: {  	[smem:$0x3F97] =	sst s1;
	(tag) =	ssettag s2;
	_ =	strace s9  }
0x27: {  	s1 =	sld [smem:$0x3FA7]  }
0x28: {  	s2 =	sld [smem:$0x3FA8]  }
0x29: {  	s4 =	sld [smem:$0x3FAA]  }
0x2a: {  	p0 =	seq.s32 s5, $0x0;
	s5 =	sld [smem:$0x3FAB]  }
0x2b: {  	s6 =	sld [smem:$0x3FAC]  }
0x2c: {  	s7 =	sld [smem:$0x3FAD]  }
0x2d: {  	s3 =	simm.s32 $0x108;
	s8 =	sld [smem:$0x3FAE]  }
0x2e: {  	s3 =	simm.s32 @!p0 $0x1082;
	s9 =	sld [smem:$0x3FAF]  }
0x2f: {  	lr =	sadd.s32 s0, s3;
	s0 =	sld [smem:$0x3FA6]  }
0x30: {  	s3 =	sld [smem:$0x3FA9]  }
0x31: {  	[smem:$0x3FB2] =	sst s10  }
0x32: {  	s10 =	sld [smem:$0x3FB0];
	_ =	sdelay $0x3  }
0x33: {  	p0 =	seq.s32 s10, $0x1;
	s10 =	sld [smem:$0x3FB2];
	_ =	sdelay $0x3  }
0x34: {  	[smem:$0x3FB2] =	sst s10  }
0x35: {  	s10 =	sld [smem:$0x3FB1];
	_ =	sdelay $0x3  }
0x36: {  	p1 =	seq.s32 s10, $0x1;
	s10 =	sld [smem:$0x3FB2];
	_ =	sdelay $0x3  }
0x37: {  	[smem:$0x3FB2] =	sst s10  }
0x38: {  	s10 =	sld [smem:$0x3FB3]  }
0x39: {  	_ = 	snop;
	(pc) =	sbr.ind lr, $3  }
0x3a: {  	_ = 	snop  }
0x3b: {  	_ = 	snop  }
0x3c: {  	p2 =	seq.s32 s10, $0x1;
	s10 =	sld [smem:$0x3FB2]  }
0x3d: {  	_ =	shalt  }
0x3e: {  	_ =	shalt  }
0x3f: {  	_ =	shalt  }
0x40: {  	_ =	shalt  }
0x41: {  	_ =	shalt  }
0x42: {  	_ =	shalt  }
0x43: {  	_ =	shalt  }
0x44: {  	_ =	shalt  }
0x45: {  	_ =	shalt  }
0x46: {  	_ =	shalt  }
0x47: {  	_ =	shalt  }
0x48: {  	_ =	shalt  }
0x49: {  	_ =	shalt  }
0x4a: {  	_ =	shalt  }
0x4b: {  	_ =	shalt  }
0x4c: {  	_ =	shalt  }
0x4d: {  	_ =	shalt  }
0x4e: {  	_ =	shalt  }
0x4f: {  	_ =	shalt  }
0x50: {  	_ =	shalt  }
0x51: {  	_ =	shalt  }
0x52: {  	_ =	shalt  }
0x53: {  	_ =	shalt  }
0x54: {  	_ =	shalt  }
0x55: {  	_ =	shalt  }
0x56: {  	_ =	shalt  }
0x57: {  	_ =	shalt  }
0x58: {  	_ =	shalt  }
0x59: {  	_ =	shalt  }
0x5a: {  	_ =	shalt  }
0x5b: {  	_ =	shalt  }
0x5c: {  	_ =	shalt  }
0x5d: {  	_ =	shalt  }
0x5e: {  	_ =	shalt  }
0x5f: {  	_ =	shalt  }
0x60: {  	_ =	shalt  }
0x61: {  	_ =	shalt  }
0x62: {  	_ =	shalt  }
0x63: {  	_ =	shalt  }
0x64: {  	_ =	shalt  }
0x65: {  	_ =	shalt  }
0x66: {  	_ =	shalt  }
0x67: {  	_ =	shalt  }
0x68: {  	_ =	shalt  }
0x69: {  	_ =	shalt  }
0x6a: {  	_ =	shalt  }
0x6b: {  	_ =	shalt  }
0x6c: {  	_ =	shalt  }
0x6d: {  	_ =	shalt  }
0x6e: {  	_ =	shalt  }
0x6f: {  	_ =	shalt  }
0x70: {  	_ =	shalt  }
0x71: {  	_ =	shalt  }
0x72: {  	_ =	shalt  }
0x73: {  	_ =	shalt  }
0x74: {  	_ =	shalt  }
0x75: {  	_ =	shalt  }
0x76: {  	_ =	shalt  }
0x77: {  	_ =	shalt  }
0x78: {  	_ =	shalt  }
0x79: {  	_ =	shalt  }
0x7a: {  	_ =	shalt  }
0x7b: {  	_ =	shalt  }
0x7c: {  	_ =	shalt  }
0x7d: {  	_ =	shalt  }
0x7e: {  	_ =	shalt  }
0x7f: {  	_ =	shalt  }
0x80: {  	_ =	shalt  }
0x81: {  	_ =	shalt  }
0x82: {  	_ =	shalt  }
0x83: {  	_ =	shalt  }
0x84: {  	_ =	shalt  }
0x85: {  	_ =	shalt  }
0x86: {  	_ =	shalt  }
0x87: {  	_ =	shalt  }
.Lfunc_end0:
.L_simem_size_0:
called_computation.1_lowered:
.L_overlay_start_0:
0x88: {  	s2 =	sld [smem:$0x3FD9]  }
0x89: {  	s3 =	sld [smem:$0x3FFE];
	_ =	sdelay $0x1  }
0x8a: {  	s1 =	srdreg.scid  }
0x8b: {  	s0 =	sand.u32 $0x1, s1  }
0x8c: {  	s17 =	sshll.u32 s0, $0xA;
	s2 =	sadd.s32 s3, s2  }
0x8d: {  	s2 =	sadd.s32 s2, s17  }
0x8e: {  	[smem:$0x3FBE] =	sst s2  }
0x8f: {  	_ = 	snop  }
0x90: {  	s2 =	sld [smem:$0x3FD0];
	(tm) =	ssettm $0x1  }
0x91: {  	s18 =	sld [smem:$0x3FFB];
	_ =	sdelay $0x3  }
0x92: {  	_ =	strace s18  }
0x93: {  	s3 =	sld [smem:$0x3FFC];
	_ =	sdelay $0x3  }
0x94: {  	_ =	strace s3  }
0x95: {  	s3 =	sld [smem:$0x3FFD];
	_ =	sdelay $0x3  }
0x96: {  	_ =	strace s3  }
0x97: {  	_ =	strace $0x8FFFFFFF  }
0x98: {  	s19 =	sld [smem:$0x3FDB];
	_ =	sdelay $0x1  }
0x99: {  	s4 =	simm.s32 $_scs_section_size  }
0x9a: {  	s5 =	simm.s32 $_size__tile_overlayer_lowered;
	s6 =	simm.s32 $_tile_overlayer_lowered  }
0x9b: {  	s22 =	simm.s32 $0x1BFF;
	s21 =	sshll.u32 s6, $0x1;
	s3 =	sadd.s32 s4, s19  }
0x9c: {  	s7 =	simm.s32 $0x0;
	s20 =	sshll.u32 s5, $0x1;
	s5 =	sadd.s32 s21, s3  }
0x9d: {  	[timem:s7], [sflag:s22] =	dma.local [hbm:s5], s20  }
0x9e: {  	_ =	swait.ge [sflag:s22], s20  }
0x9f: {  	s4 =	ssub.s32 $0x0, s20;
	[sflag:s22] =	ssyncset.done $0x0  }
0xa0: {  	[sflag:s22] =	ssyncadd.s32 s4;
	_ =	sdelay $0x1  }
0xa1: {  	s23 =	simm.s32 $0x1B8B  }
0xa2: {  	_ =	swait.ge [sflag:s23], $0x1  }
0xa3: {  	[sflag:s23] =	ssyncset.done $0x0  }
0xa4: {  	s25 =	simm.s32 $0x1B8E;
	s24 =	sld [smem:$0x3FFE];
	[sflag:s23] =	ssyncadd.s32 $0xFFFFFFFF  }
0xa5: {  	s26 =	simm.s32 $execute0_lowered;
	[smem:$0x3FD2] =	sst s25  }
0xa6: {  	s5 =	sshll.u32 s26, $0x1;
	_ =	strace $0x80000049;
	[dreg:$0x1] =	wrdreg $0xFFFFFFFF  }
0xa7: {  	s28 =	simm.s32 $_size_execute0_lowered;
	s3 =	sadd.s32 s3, s5;
	[dreg:$0x0] =	wrdreg $0x0  }
0xa8: {  	s5 =	sshll.u32 s28, $0x1;
	[dreg:$0x2] =	wrdreg s3  }
0xa9: {  	[dreg:$0x3] =	wrdreg s5  }
0xaa: {  	[dreg:$0x4] =	wrdreg $0xC0  }
0xab: {  	_ =	task [dreg:s7], $0x5FFFF  }
0xac: {  	[dreg:$0x1] =	wrdreg $0xFFFFFFFF  }
0xad: {  	[dreg:$0x0] =	wrdreg $0x60  }
0xae: {  	[dreg:$0x2] =	wrdreg s24  }
0xaf: {  	[dreg:$0x3] =	wrdreg s2  }
0xb0: {  	[dreg:$0x4] =	wrdreg $0x196D00  }
0xb1: {  	[dreg:$0x5] =	wrdreg $0x1BDE00  }
0xb2: {  	[dreg:$0x6] =	wrdreg $0x9  }
0xb3: {  	_ =	task.clear_ibuf [dreg:s7], $0x7FFFF;
	_ =	strace $0x90000049  }
0xb4: {  	s29 =	simm.s32 $0x9;
	_ =	strace $0x8000004B  }
0xb5: {  	_ =	swait.ge [sflag:s29], $0x1  }
0xb6: {  	[sflag:s29] =	ssyncadd.s32 $0xFFFFFFFF  }
0xb7: {  	_ =	strace $0x9000004B  }
0xb8: {  	_ =	sfence  }
0xb9: {  	s30 =	sld [smem:$0x0];
	_ =	sdelay $0x2  }
0xba: {  	s31 =	sshll.u32 s1, $0xD;
	s1 =	sshrl.u32 s1, $0x2  }
0xbb: {  	s3 =	sand.u32 $0x4000, s31;
	s1 =	sadd.s32 s1, s30  }
0xbc: {  	s0 =	sor.u32 s3, s0;
	s1 =	sshll.u32 s1, $0x11  }
0xbd: {  	s0 =	sor.u32 s1, s0  }
0xbe: {  	s0 =	sadd.s32 $0x8F2B, s0  }
0xbf: {  	[sflag:s0] =	ssyncadd.remote.s32 $0x1  }
0xc0: {  	_ =	sfence.sel $0xFFFF  }
0xc1: {  	[dreg:$0x0] =	wrdreg $0xFFFFFFFF;
	(pc) =	sbr.abs _section_cstart, $3  }
0xc2: {  	[dreg:$0x1] =	wrdreg $0xFFFFFFFF  }
0xc3: {  	_ =	task.clear_ibuf [dreg:s7], $0x2FFFF;
	_ =	strace $0x9FFFFFFF  }
0xc4: {  	(tm) =	ssettm $0x7FFFFFFF  }
0xc5: {  	_ =	shalt  }
tec
execute0_lowered:
.L_overlay_start_1:
0x0: {  	(tag) =	ssettag $0x1  }
0x1: {  	s0 =	rddreg [dreg:$0x0]  }
0x2: {  	s1 =	rddreg [dreg:$0x1]  }
0x3: {  	s2 =	rddreg [dreg:$0x2]  }
0x4: {  	s3 =	rddreg [dreg:$0x3];
	s4 =	simm.s32 $0x0  }
0x5: {  	s12 =	stileid.u32;
	s5 =	srdreg.scid;
	s28 =	simm.s32 $0x9C0  }
0x6: {  	s29 =	simm.s32 $0x30C0;
	s30 =	simm.s32 $0x1380;
	s31 =	simm.s32 $0x3A80  }
0x7: {  	s6 =	smul.u32 $0x2710, s12;
	s5 =	sand.u32 $0x1, s5;
	s7 =	sshll.u32 s12, $0x1  }
0x8: {  	[smem:$0x7FF] =	sst s4;
	s16 =	smul.u32 $0x9C40, s12;
	p0 =	sgt.u32 s12, $0x1  }
0x9: {  	s8 =	smul.u32 $0x27100, s5;
	s7 =	sor.u32 s5, s7;
	_ =	strace $0x8000004A  }
0xa: {  	s5 =	ssub.s32 $0x2, s5;
	s9 =	sshrl.u32 s6, $0x3;
	s10 =	smul.u32 $0x2700, s7  }
0xb: {  	s11 =	sshrl.u32 s5, $0x1;
	s19 =	sadd.s32 s6, s2;
	s22 =	sshrl.u32 s16, $0x2  }
0xc: {  	s16 =	sadd.s32 s6, s3;
	s7 =	sshll.u32 s7, $0x4;
	s9 =	sadd.s32 s9, s0  }
0xd: {  	s8 =	sadd.s32 s6, s8;
	s24 =	sadd.s32 s22, s3;
	s6 =	simm.s32 $0x3  }
0xe: {  	s8 =	sshrl.u32 s8, $0x3;
	s10 =	sshrl.u32 s10, $0x3;
	s9 =	sadd.s32 $0x2200, s9  }
0xf: {  	s25 =	sadd.s32 $0xFA0, s24;
	s26 =	sadd.s32 $0x1770, s24;
	s20 =	sadd.s32 $0x1F40, s24  }
0x10: {  	s0 =	sadd.s32 s8, s0;
	s8 =	ssub.s32 s5, s11;
	[dreg:$0xc] =	wrdreg s9  }
0x11: {  	s5 =	sadd.s32 s1, s10;
	s9 =	sadd.s32 $0x7D0, s24;
	[dreg:$0x10] =	wrdreg s25  }
0x12: {  	[dreg:$0x11] =	wrdreg s26;
	s1 =	sadd.s32 s7, s1;
	s25 =	sshrl.u32 s19, $0x3  }
0x13: {  	s26 =	simm.s32 $0x2700;
	s10 =	sadd.s32 $0x9C40, s5;
	[dreg:$0xf] =	wrdreg s9  }
0x14: {  	s7 =	simm.s32 $0x18F00;
	s11 =	sadd.s32 $0x138, s5;
	[dreg:$0x5] =	wrdreg s10  }
0x15: {  	s13 =	sadd.s32 $0x9D78, s5;
	s14 =	sadd.s32 $0x270, s5;
	[dreg:$0x6] =	wrdreg s11  }
0x16: {  	s15 =	sadd.s32 $0x9EB0, s5;
	s17 =	sadd.s32 $0x3A8, s5;
	[dreg:$0x7] =	wrdreg s13  }
0x17: {  	s18 =	sadd.s32 $0x9FE8, s5;
	s21 =	sadd.s32 $0x9C00, s1;
	[dreg:$0x8] =	wrdreg s14  }
0x18: {  	s22 =	sadd.s32 $0x13840, s1;
	s24 =	smax.u32 s8, $0x1;
	[dreg:$0x9] =	wrdreg s15  }
0x19: {  	s1 =	simm.s32 $0x4440;
	s8 =	simm.s32 $0x5;
	[dreg:$0xa] =	wrdreg s17  }
0x1a: {  	s9 =	simm.s32 $0x4F00;
	[dreg:$0xb] =	wrdreg s18;
	s13 =	sshll.u32 s12, $0x6  }
0x1b: {  	s10 =	simm.s32 $0xEB00;
	s11 =	simm.s32 $0x1;
	s12 =	simm.s32 $0x2  }
0x1c: {  	[dreg:$0xd] =	wrdreg s13;
	s23 =	sor.u32 $0x1C03, s13;
	s13 =	simm.s32 $0x0  }
0x1d: {  	v0 =	vimm.f32 $0.0e+00;
	[dreg:$0xe] =	wrdreg s23;
	s23 =	sadd.s32 $0x7200, s0;
	s0 =	simm.s32 $0x1D40  }
.LBB2_1:
0x1e: {  	[tilespmem:s4], [sflag:$0x3] =	stream.linear.gather [hbm4b:s5+s4], $0x9C0, $0x38;
	[tilespmem:$0x1E4F0] =	vst v63  }
0x1f: {  	s14 =	rddreg [dreg:$0x5]  }
0x20: {  	s17 =	rddreg [dreg:$0x6]  }
0x21: {  	s18 =	rddreg [dreg:$0x7]  }
0x22: {  	[tilespmem:s26], [sflag:$0x3] =	stream.linear.gather [hbm4b:s14+s4], $0x9C0, $0x38;
	[tilespmem:$0x1E4F0] =	vst v63  }
0x23: {  	s19 =	rddreg [dreg:$0x8]  }
0x24: {  	[tilespmem:s28], [sflag:$0x3] =	stream.linear.gather [hbm4b:s17+s4], $0x9C0, $0x38;
	[tilespmem:$0x1E4F0] =	vst v63  }
0x25: {  	s15 =	rddreg [dreg:$0x9]  }
0x26: {  	[tilespmem:s29], [sflag:$0x3] =	stream.linear.gather [hbm4b:s18+s4], $0x9C0, $0x38;
	[tilespmem:$0x1E4F0] =	vst v63  }
0x27: {  	s17 =	rddreg [dreg:$0xa]  }
0x28: {  	[tilespmem:s30], [sflag:$0x3] =	stream.linear.gather [hbm4b:s19+s4], $0x9C0, $0x38;
	[tilespmem:$0x1E4F0] =	vst v63  }
0x29: {  	s18 =	rddreg [dreg:$0xb]  }
0x2a: {  	[tilespmem:s31], [sflag:$0x3] =	stream.linear.gather [hbm4b:s15+s4], $0x9C0, $0x38;
	[tilespmem:$0x1E4F0] =	vst v63  }
0x2b: {  	s19 =	rddreg [dreg:$0xc]  }
0x2c: {  	[tilespmem:s0], [sflag:$0x3] =	stream.linear.gather [hbm4b:s17+s4], $0x9C0, $0x38;
	[tilespmem:$0x1E4F0] =	vst v63  }
0x2d: {  	s15 =	rddreg [dreg:$0xe]  }
0x2e: {  	[tilespmem:s1], [sflag:$0x3] =	stream.linear.gather [hbm4b:s18+s4], $0x9C0, $0x38;
	[tilespmem:$0x1E4F0] =	vst v63  }
0x2f: {  	[spmem:s25], [sflag:s15] =	dma.local [hbm:s19], $0x4E2  }
0x30: {  	s15 =	simm.s32 $0x18F40  }
0x31: {  	[tilespmem:s15+$0xFFFFFFC0] =	vst v0  }
0x32: {  	[tilespmem:s15+$0x30] =	vst v0  }
0x33: {  	[tilespmem:s15+$0x20] =	vst v0  }
0x34: {  	[tilespmem:s15+$0x10] =	vst v0  }
0x35: {  	[tilespmem:s15+$0x0] =	vst v0  }
0x36: {  	[tilespmem:s15+$0xFFFFFFF0] =	vst v0  }
0x37: {  	s17 =	simm.s32 $0x0;
	[tilespmem:s15+$0xFFFFFFE0] =	vst v0  }
.LBB2_2:
0x38: {  	s17 =	sadd.s32 $0x8, s17;
	[tilespmem:s15+$0xFFFFFFD0] =	vst v0;
	s15 =	sadd.s32 $0x80, s15  }
0x39: {  	[tilespmem:s15+$0xFFFFFFC0] =	vst v0;
	p1 =	slt.u32 s17, $0x70  }
0x3a: {  	[tilespmem:s15+$0x30] =	vst v0  }
.Ltmp0:
0x3b: {  	[tilespmem:s15+$0x20] =	vst v0;
	(pc) =	sbr.rel @p1 .LBB2_2-.Ltmp0, $4  }
0x3c: {  	[tilespmem:s15+$0x10] =	vst v0  }
0x3d: {  	[tilespmem:s15+$0x0] =	vst v0  }
0x3e: {  	[tilespmem:s15+$0xFFFFFFF0] =	vst v0  }
0x3f: {  	[tilespmem:s15+$0xFFFFFFE0] =	vst v0  }
0x40: {  	[tilespmem:s15+$0xFFFFFFD0] =	vst v0;
	s15 =	simm.s32 $0x0  }
.LBB2_4:
0x41: {  	p1 =	sne.s32 s15, $0x100  }
.Ltmp1:
0x42: {  	_ = 	snop;
	(pc) =	sbr.rel @p1 .LBB2_4-.Ltmp1, $3  }
0x43: {  	_ =	sdelay $0x1  }
0x44: {  	s17 =	sshra.s32 s15, $0x2  }
0x45: {  	s15 =	sadd.s32 $0x40, s15;
	[tilespmem:s17+$0x19680] =	vst v0  }
0x46: {  	_ =	swait.ge [sflag:s6], $0x9C0  }
0x47: {  	[sflag:s6] =	ssyncset.done $0x0  }
0x48: {  	[sflag:s6] =	ssyncadd.s32 $0xFFFFF640  }
0x49: {  	_ =	swait.ge [sflag:s6], $0x9C0  }
0x4a: {  	[sflag:s6] =	ssyncset.done $0x0  }
0x4b: {  	[sflag:s6] =	ssyncadd.s32 $0xFFFFF640  }
0x4c: {  	_ =	swait.ge [sflag:s6], $0x9C0  }
0x4d: {  	[sflag:s6] =	ssyncset.done $0x0  }
0x4e: {  	[sflag:s6] =	ssyncadd.s32 $0xFFFFF640  }
0x4f: {  	_ =	swait.ge [sflag:s6], $0x9C0  }
0x50: {  	[sflag:s6] =	ssyncset.done $0x0  }
0x51: {  	[sflag:s6] =	ssyncadd.s32 $0xFFFFF640  }
0x52: {  	_ =	swait.ge [sflag:s6], $0x9C0  }
0x53: {  	[sflag:s6] =	ssyncset.done $0x0  }
0x54: {  	[sflag:s6] =	ssyncadd.s32 $0xFFFFF640  }
0x55: {  	_ =	swait.ge [sflag:s6], $0x9C0  }
0x56: {  	[sflag:s6] =	ssyncset.done $0x0  }
0x57: {  	[sflag:s6] =	ssyncadd.s32 $0xFFFFF640  }
0x58: {  	_ =	swait.ge [sflag:s6], $0x9C0  }
0x59: {  	[sflag:s6] =	ssyncset.done $0x0  }
0x5a: {  	[sflag:s6] =	ssyncadd.s32 $0xFFFFF640  }
0x5b: {  	_ =	swait.ge [sflag:s6], $0x9C0  }
0x5c: {  	[sflag:s6] =	ssyncset.done $0x0  }
0x5d: {  	[sflag:s6] =	ssyncadd.s32 $0xFFFFF640  }
0x5e: {  	_ =	swait.ge [sflag:s6], $0x4E2  }
0x5f: {  	[sflag:s6] =	ssyncset.done $0x0  }
0x60: {  	[sflag:s6] =	ssyncadd.s32 $0xFFFFFB1E  }
0x61: {  	[spmem:s16] =	stream.linear.scatter [tilespmem:s7], [sflag:$0x5], $0x7D0, $0x38;
	[tilespmem:$0x1E4F0] =	vst v63  }
0x62: {  	_ =	swait.ge [sflag:s8], $0x7D0  }
0x63: {  	[sflag:s8] =	ssyncset.done $0x0  }
0x64: {  	s14 =	rddreg [dreg:$0xf];
	[sflag:s8] =	ssyncadd.s32 $0xFFFFF830  }
0x65: {  	[spmem:s14] =	stream.linear.scatter [tilespmem:s7], [sflag:$0x5], $0x7D0, $0x38;
	[tilespmem:$0x1E4F0] =	vst v63  }
0x66: {  	_ =	swait.ge [sflag:s8], $0x7D0  }
0x67: {  	[sflag:s8] =	ssyncset.done $0x0  }
0x68: {  	s15 =	rddreg [dreg:$0x10];
	[sflag:s8] =	ssyncadd.s32 $0xFFFFF830  }
0x69: {  	[spmem:s15] =	stream.linear.scatter [tilespmem:s7], [sflag:$0x5], $0x7D0, $0x38;
	[tilespmem:$0x1E4F0] =	vst v63  }
0x6a: {  	_ =	swait.ge [sflag:s8], $0x7D0  }
0x6b: {  	[sflag:s8] =	ssyncset.done $0x0  }
0x6c: {  	s17 =	rddreg [dreg:$0x11];
	[sflag:s8] =	ssyncadd.s32 $0xFFFFF830  }
0x6d: {  	[spmem:s17] =	stream.linear.scatter [tilespmem:s7], [sflag:$0x5], $0x7D0, $0x38;
	[tilespmem:$0x1E4F0] =	vst v63  }
0x6e: {  	_ =	swait.ge [sflag:s8], $0x7D0  }
0x6f: {  	[sflag:s8] =	ssyncset.done $0x0  }
0x70: {  	[sflag:s8] =	ssyncadd.s32 $0xFFFFF830  }
0x71: {  	[spmem:s20] =	stream.linear.scatter [tilespmem:s7], [sflag:$0x5], $0x7D0, $0x38;
	[tilespmem:$0x1E4F0] =	vst v63  }
0x72: {  	_ =	swait.ge [sflag:s8], $0x7D0  }
0x73: {  	[sflag:s8] =	ssyncset.done $0x0  }
0x74: {  	s18 =	simm.s32 @!p0 $0x5;
	[sflag:s8] =	ssyncadd.s32 $0xFFFFF830  }
0x75: {  	s15 =	simm.s32 @!p0 $0x0;
	s17 =	simm.s32 @!p0 $0x4E00;
	[bflag:$0x0] =	sbarrier.arrive $0xFFFF  }
0x76: {  	[tilespmem:s17], [sflag:$0x5] =	stream.linear.gather @!p0 [hbm4b:s21+s15], $0x80, $0x38;
	[tilespmem:$0x1E4F0] =	vst v63  }
0x77: {  	_ =	swait.ge @!p0 [sflag:s18], $0x80  }
0x78: {  	[sflag:s18] =	ssyncset.done @!p0 $0x0  }
0x79: {  	s14 =	simm.s32 @!p0 $0x4E80;
	[sflag:s18] =	ssyncadd.s32 @!p0 $0xFFFFFF80  }
0x7a: {  	[tilespmem:s14], [sflag:$0x5] =	stream.linear.gather @!p0 [hbm4b:s22+s15], $0x80, $0x38;
	[tilespmem:$0x1E4F0] =	vst v63  }
0x7b: {  	_ =	swait.ge @!p0 [sflag:s18], $0x80  }
0x7c: {  	[sflag:s18] =	ssyncset.done @!p0 $0x0  }
0x7d: {  	s19 =	simm.s32 @!p0 $0x18700;
	s15 =	simm.s32 @!p0 $0x80;
	[sflag:s18] =	ssyncadd.s32 @!p0 $0xFFFFFF80  }
0x7e: {  	[tilespmem:s19], [sflag:$0x4] =	stream.indirect.gather @!p0 [spmem:s2], $0x10, s17, s15, $0xb8;
	[tilespmem:$0x1E4F0] =	vst v63  }
0x7f: {  	s17 =	simm.s32 @!p0 $0x4  }
0x80: {  	_ =	swait.ge @!p0 [sflag:s17], $0x800  }
0x81: {  	[sflag:s17] =	ssyncset.done @!p0 $0x0  }
0x82: {  	[sflag:s17] =	ssyncadd.s32 @!p0 $0xFFFFF800  }
0x83: {  	[spmem:s3] =	stream.indirect.scatter.add.f32 @!p0 [tilespmem:s19], [sflag:$0x5], $0x10, s14, s15, $0xb8;
	[tilespmem:$0x1E4F0] =	vst v63  }
0x84: {  	_ =	swait.ge @!p0 [sflag:s18], $0x800  }
0x85: {  	[sflag:s18] =	ssyncset.done @!p0 $0x0  }
0x86: {  	[sflag:s18] =	ssyncadd.s32 @!p0 $0xFFFFF800  }
0x87: {  	[tilespmem:s9], [sflag:$0x1] =	stream.indirect.gather [spmem:s2], $0x10, s4, s28, $0xb8;
	[tilespmem:$0x1E4F0] =	vst v63  }
0x88: {  	_ = 	snop  }
0x89: {  	[tilespmem:s10], [sflag:$0x2] =	stream.indirect.gather [spmem:s2], $0x10, s28, s28, $0xb8;
	[tilespmem:$0x1E4F0] =	vst v63  }
0x8a: {  	_ =	swait.ge [sflag:s11], $0x9C00  }
0x8b: {  	[sflag:s11] =	ssyncset.done $0x0  }
0x8c: {  	[sflag:s11] =	ssyncadd.s32 $0xFFFF6400  }
0x8d: {  	[spmem:s3] =	stream.indirect.scatter.add.f32 [tilespmem:s9], [sflag:$0x5], $0x10, s26, s28, $0xb8;
	[tilespmem:$0x1E4F0] =	vst v63  }
0x8e: {  	_ =	swait.ge [sflag:s8], $0x9C00  }
0x8f: {  	[sflag:s8] =	ssyncset.done $0x0  }
0x90: {  	[sflag:s8] =	ssyncadd.s32 $0xFFFF6400  }
0x91: {  	[tilespmem:s9], [sflag:$0x1] =	stream.indirect.gather [spmem:s2], $0x10, s30, s28, $0xb8;
	[tilespmem:$0x1E4F0] =	vst v63  }
0x92: {  	_ =	swait.ge [sflag:s12], $0x9C00  }
0x93: {  	[sflag:s12] =	ssyncset.done $0x0  }
0x94: {  	[sflag:s12] =	ssyncadd.s32 $0xFFFF6400  }
0x95: {  	[spmem:s3] =	stream.indirect.scatter.add.f32 [tilespmem:s10], [sflag:$0x5], $0x10, s29, s28, $0xb8;
	[tilespmem:$0x1E4F0] =	vst v63  }
0x96: {  	_ =	swait.ge [sflag:s8], $0x9C00  }
0x97: {  	[sflag:s8] =	ssyncset.done $0x0  }
0x98: {  	[sflag:s8] =	ssyncadd.s32 $0xFFFF6400  }
0x99: {  	[tilespmem:s10], [sflag:$0x2] =	stream.indirect.gather [spmem:s2], $0x10, s0, s28, $0xb8;
	[tilespmem:$0x1E4F0] =	vst v63  }
0x9a: {  	_ =	swait.ge [sflag:s11], $0x9C00  }
0x9b: {  	[sflag:s11] =	ssyncset.done $0x0  }
0x9c: {  	[sflag:s11] =	ssyncadd.s32 $0xFFFF6400  }
0x9d: {  	[spmem:s3] =	stream.indirect.scatter.add.f32 [tilespmem:s9], [sflag:$0x5], $0x10, s31, s28, $0xb8;
	[tilespmem:$0x1E4F0] =	vst v63  }
0x9e: {  	_ =	swait.ge [sflag:s8], $0x9C00  }
0x9f: {  	[sflag:s8] =	ssyncset.done $0x0  }
0xa0: {  	[sflag:s8] =	ssyncadd.s32 $0xFFFF6400  }
0xa1: {  	_ =	swait.ge [sflag:s12], $0x9C00  }
0xa2: {  	[sflag:s12] =	ssyncset.done $0x0  }
0xa3: {  	[sflag:s12] =	ssyncadd.s32 $0xFFFF6400  }
0xa4: {  	[spmem:s3] =	stream.indirect.scatter.add.f32 [tilespmem:s10], [sflag:$0x5], $0x10, s1, s28, $0xb8;
	[tilespmem:$0x1E4F0] =	vst v63  }
0xa5: {  	_ =	swait.ge [sflag:s8], $0x9C00  }
0xa6: {  	[sflag:s8] =	ssyncset.done $0x0  }
0xa7: {  	[sflag:s8] =	ssyncadd.s32 $0xFFFF6400  }
0xa8: {  	s13 =	sadd.s32 $0x1, s13;
	[bflag:$0x0] =	sbarrier.arrive $0xFFFF  }
0xa9: {  	p1 =	sne.s32 s13, s24;
	s18 =	rddreg [dreg:$0xd]  }
.Ltmp2:
0xaa: {  	s19 =	sshrl.u32 s16, $0x3;
	s14 =	sor.u32 $0x1C05, s18;
	(pc) =	sbr.rel @p1 .LBB2_1-.Ltmp2, $4  }
0xab: {  	[hbm:s23], [sflag:s14] =	dma.local [spmem:s19], $0x4E2  }
0xac: {  	_ =	swait.ge [sflag:s8], $0x4E2  }
0xad: {  	[sflag:s8] =	ssyncset.done $0x0  }
0xae: {  	[sflag:s8] =	ssyncadd.s32 $0xFFFFFB1E  }
0xaf: {  	_ =	sfence.sel $0x180000  }
0xb0: {  	[bflag:$0x0] =	sbarrier.arrive $0xFFFF  }
0xb1: {  	_ =	strace $0x9000004A  }
0xb2: {  	s0 =	stileid.u32;
	[bflag:$0x2] =	sbarrier.arrive $0xFFFF  }
0xb3: {  	p0 =	sne.s32 s0, $0x0;
	s0 =	rddreg [dreg:$0x4]  }
0xb4: {  	s0 =	sadd.s32 @!p0 $0x100000, s0  }
0xb5: {  	[sflag:s0] =	ssyncadd.tile.s32 @!p0 $0x1;
	_ =	shalt  }
.Lfunc_end2:
_tile_overlayer_lowered:
.L_overlay_start_2:
0xb6: {  	(tag) =	ssettag $0x2  }
0xb7: {  	s0 =	rddreg [dreg:$0x0];
	s2 =	stileid.u32  }
0xb8: {  	s1 =	rddreg [dreg:$0x1];
	p0 =	sne.s32 s2, $0x0  }
0xb9: {  	s3 =	rddreg [dreg:$0x2];
	[bflag:$0x3] =	sbarrier.arrive $0xFFFF;
	s2 =	simm.s32 @!p0 $0x1C05  }
0xba: {  	[timem:s3], [sflag:s2] =	dma.local @!p0 [hbm:s0], s1  }
0xbb: {  	s0 =	simm.s32 @!p0 $0x5  }
0xbc: {  	_ =	swait.ge @!p0 [sflag:s0], s1  }
0xbd: {  	s1 =	ssub.s32 @!p0 $0x0, s1;
	[sflag:s0] =	ssyncset.done @!p0 $0x0  }
0xbe: {  	[sflag:s0] =	ssyncadd.s32 @!p0 s1  }
0xbf: {  	[bflag:$0x3] =	sbarrier.arrive $0xFFFF  }
0xc0: {  	_ =	shalt  }

// kernel: kernel.7.cloned.1.call-start
scs
__scs_entry_jumppad:
0x0: {  	(pc) =	sbr.rel $0x88, $3  }
0x1: {  	(tag) =	ssettag $0x0;
	lr =	simm.s32 $0x1  }
0x2: {  	[smem:$0x3F97] =	sst lr;
	_ =	strace $0xD0000000  }
0x3: {  	_ = 	snop  }
0x4: {  	_ = 	snop  }
0x5: {  	_ = 	snop  }
0x6: {  	_ = 	snop  }
0x7: {  	_ = 	snop  }
__scs_overlays_trampoline_lowered:
0x8: {  	[smem:$0x3FA6] =	sst s0  }
0x9: {  	[smem:$0x3FA7] =	sst s1  }
0xa: {  	[smem:$0x3FA8] =	sst s2  }
0xb: {  	[smem:$0x3FA9] =	sst s3  }
0xc: {  	[smem:$0x3FAA] =	sst s4  }
0xd: {  	[smem:$0x3FAB] =	sst s5  }
0xe: {  	[smem:$0x3FAC] =	sst s6  }
0xf: {  	[smem:$0x3FAD] =	sst s7  }
0x10: {  	[smem:$0x3FAE] =	sst s8  }
0x11: {  	[smem:$0x3FAF] =	sst s9;
	s0 =	simm.s32 @!p0 $0x0  }
0x12: {  	s1 =	sld [smem:$0x3F95];
	s0 =	simm.s32 @p0 $0x1  }
0x13: {  	[smem:$0x3FB0] =	sst s0;
	s0 =	simm.s32 @!p1 $0x0  }
0x14: {  	s2 =	sld [smem:$0x3F94];
	s0 =	simm.s32 @p1 $0x1  }
0x15: {  	[smem:$0x3FB1] =	sst s0;
	s0 =	simm.s32 @!p2 $0x0  }
0x16: {  	s3 =	sld [smem:$0x3FDB];
	s0 =	simm.s32 @p2 $0x1  }
0x17: {  	s4 =	simm.s32 $0x1BF5;
	[smem:$0x3FB3] =	sst s0  }
0x18: {  	s0 =	sld [smem:$0x3F96];
	_ =	swait.ge [sflag:s4], $0x0  }
0x19: {  	s7 =	sld [smem:$0x3F97]  }
0x1a: {  	s8 =	sadd.s32 $0xFFFFE003, lr  }
0x1b: {  	s9 =	sadd.s32 $0xFFFFFEF7, lr;
	s5 =	simm.s32 $0xFFFFFFFF;
	p2 =	slt.u32 s8, $0xFFFFF086  }
0x1c: {  	p1 =	slt.u32 s9, $0xF7A;
	s5 =	simm.s32 @!p2 $0x0  }
0x1d: {  	s5 =	simm.s32 @p1 $0x1;
	p0 =	seq.s32 s7, s2  }
0x1e: {  	s7 =	smul.u32 @!p0 $0xF7A, s2;
	p2 =	seq.s32 @!p0 s5, $0x0  }
0x1f: {  	s9 =	smul.u32 $0xF7A, s1;
	s8 =	simm.s32 @!p0 $0x1BF5;
	p2 =	por !p2, p0  }
0x20: {  	[sflag:s8] =	ssyncset.s32 @!p0 $0xFFFFF086;
	s6 =	sadd.s32 @!p0 s3, s7;
	s7 =	simm.s32 @!p0 $0x108  }
0x21: {  	s3 =	sadd.s32 s3, s9;
	s6 =	sadd.s32 @!p0 $0x88, s6;
	s7 =	simm.s32 @p2 $0x1082  }
0x22: {  	[simem:s7], [sflag:s8] =	dma.local @!p0 [hbm:s6], $0xF7A  }
0x23: {  	s9 =	sor.u32 $0xD0000000, s2;
	s6 =	simm.s32 $0x108;
	_ =	swait.ge @!p0 [sflag:s8], $0x0  }
0x24: {  	s3 =	sadd.s32 $0x88, s3;
	s6 =	simm.s32 @!p1 $0x1082;
	[sflag:s4] =	ssyncset.s32 $0xFFFFF086  }
0x25: {  	[simem:s6], [sflag:s4] =	dma.local [hbm:s3], $0xF7A  }
0x26: {  	[smem:$0x3F97] =	sst s1;
	(tag) =	ssettag s2;
	_ =	strace s9  }
0x27: {  	s1 =	sld [smem:$0x3FA7]  }
0x28: {  	s2 =	sld [smem:$0x3FA8]  }
0x29: {  	s4 =	sld [smem:$0x3FAA]  }
0x2a: {  	p0 =	seq.s32 s5, $0x0;
	s5 =	sld [smem:$0x3FAB]  }
0x2b: {  	s6 =	sld [smem:$0x3FAC]  }
0x2c: {  	s7 =	sld [smem:$0x3FAD]  }
0x2d: {  	s3 =	simm.s32 $0x108;
	s8 =	sld [smem:$0x3FAE]  }
0x2e: {  	s3 =	simm.s32 @!p0 $0x1082;
	s9 =	sld [smem:$0x3FAF]  }
0x2f: {  	lr =	sadd.s32 s0, s3;
	s0 =	sld [smem:$0x3FA6]  }
0x30: {  	s3 =	sld [smem:$0x3FA9]  }
0x31: {  	[smem:$0x3FB2] =	sst s10  }
0x32: {  	s10 =	sld [smem:$0x3FB0];
	_ =	sdelay $0x3  }
0x33: {  	p0 =	seq.s32 s10, $0x1;
	s10 =	sld [smem:$0x3FB2];
	_ =	sdelay $0x3  }
0x34: {  	[smem:$0x3FB2] =	sst s10  }
0x35: {  	s10 =	sld [smem:$0x3FB1];
	_ =	sdelay $0x3  }
0x36: {  	p1 =	seq.s32 s10, $0x1;
	s10 =	sld [smem:$0x3FB2];
	_ =	sdelay $0x3  }
0x37: {  	[smem:$0x3FB2] =	sst s10  }
0x38: {  	s10 =	sld [smem:$0x3FB3]  }
0x39: {  	_ = 	snop;
	(pc) =	sbr.ind lr, $3  }
0x3a: {  	_ = 	snop  }
0x3b: {  	_ = 	snop  }
0x3c: {  	p2 =	seq.s32 s10, $0x1;
	s10 =	sld [smem:$0x3FB2]  }
0x3d: {  	_ =	shalt  }
0x3e: {  	_ =	shalt  }
0x3f: {  	_ =	shalt  }
0x40: {  	_ =	shalt  }
0x41: {  	_ =	shalt  }
0x42: {  	_ =	shalt  }
0x43: {  	_ =	shalt  }
0x44: {  	_ =	shalt  }
0x45: {  	_ =	shalt  }
0x46: {  	_ =	shalt  }
0x47: {  	_ =	shalt  }
0x48: {  	_ =	shalt  }
0x49: {  	_ =	shalt  }
0x4a: {  	_ =	shalt  }
0x4b: {  	_ =	shalt  }
0x4c: {  	_ =	shalt  }
0x4d: {  	_ =	shalt  }
0x4e: {  	_ =	shalt  }
0x4f: {  	_ =	shalt  }
0x50: {  	_ =	shalt  }
0x51: {  	_ =	shalt  }
0x52: {  	_ =	shalt  }
0x53: {  	_ =	shalt  }
0x54: {  	_ =	shalt  }
0x55: {  	_ =	shalt  }
0x56: {  	_ =	shalt  }
0x57: {  	_ =	shalt  }
0x58: {  	_ =	shalt  }
0x59: {  	_ =	shalt  }
0x5a: {  	_ =	shalt  }
0x5b: {  	_ =	shalt  }
0x5c: {  	_ =	shalt  }
0x5d: {  	_ =	shalt  }
0x5e: {  	_ =	shalt  }
0x5f: {  	_ =	shalt  }
0x60: {  	_ =	shalt  }
0x61: {  	_ =	shalt  }
0x62: {  	_ =	shalt  }
0x63: {  	_ =	shalt  }
0x64: {  	_ =	shalt  }
0x65: {  	_ =	shalt  }
0x66: {  	_ =	shalt  }
0x67: {  	_ =	shalt  }
0x68: {  	_ =	shalt  }
0x69: {  	_ =	shalt  }
0x6a: {  	_ =	shalt  }
0x6b: {  	_ =	shalt  }
0x6c: {  	_ =	shalt  }
0x6d: {  	_ =	shalt  }
0x6e: {  	_ =	shalt  }
0x6f: {  	_ =	shalt  }
0x70: {  	_ =	shalt  }
0x71: {  	_ =	shalt  }
0x72: {  	_ =	shalt  }
0x73: {  	_ =	shalt  }
0x74: {  	_ =	shalt  }
0x75: {  	_ =	shalt  }
0x76: {  	_ =	shalt  }
0x77: {  	_ =	shalt  }
0x78: {  	_ =	shalt  }
0x79: {  	_ =	shalt  }
0x7a: {  	_ =	shalt  }
0x7b: {  	_ =	shalt  }
0x7c: {  	_ =	shalt  }
0x7d: {  	_ =	shalt  }
0x7e: {  	_ =	shalt  }
0x7f: {  	_ =	shalt  }
0x80: {  	_ =	shalt  }
0x81: {  	_ =	shalt  }
0x82: {  	_ =	shalt  }
0x83: {  	_ =	shalt  }
0x84: {  	_ =	shalt  }
0x85: {  	_ =	shalt  }
0x86: {  	_ =	shalt  }
0x87: {  	_ =	shalt  }
.Lfunc_end0:
.L_simem_size_0:
called_computation_lowered:
.L_overlay_start_0:
0x88: {  	s2 =	sld [smem:$0x3FD9]  }
0x89: {  	s3 =	sld [smem:$0x3FFE];
	_ =	sdelay $0x1  }
0x8a: {  	s1 =	srdreg.scid  }
0x8b: {  	s0 =	sand.u32 $0x1, s1  }
0x8c: {  	s17 =	sshll.u32 s0, $0xA;
	s2 =	sadd.s32 s3, s2  }
0x8d: {  	s2 =	sadd.s32 s2, s17  }
0x8e: {  	[smem:$0x3FBE] =	sst s2  }
0x8f: {  	_ = 	snop  }
0x90: {  	s2 =	sld [smem:$0x3FD0];
	(tm) =	ssettm $0x1  }
0x91: {  	s18 =	sld [smem:$0x3FFB];
	_ =	sdelay $0x3  }
0x92: {  	_ =	strace s18  }
0x93: {  	s3 =	sld [smem:$0x3FFC];
	_ =	sdelay $0x3  }
0x94: {  	_ =	strace s3  }
0x95: {  	s3 =	sld [smem:$0x3FFD];
	_ =	sdelay $0x3  }
0x96: {  	_ =	strace s3  }
0x97: {  	_ =	strace $0x8FFFFFFF  }
0x98: {  	s19 =	sld [smem:$0x3FDB];
	_ =	sdelay $0x1  }
0x99: {  	s4 =	simm.s32 $_scs_section_size  }
0x9a: {  	s5 =	simm.s32 $_size__tile_overlayer_lowered;
	s6 =	simm.s32 $_tile_overlayer_lowered  }
0x9b: {  	s22 =	simm.s32 $0x1BFF;
	s21 =	sshll.u32 s6, $0x1;
	s3 =	sadd.s32 s4, s19  }
0x9c: {  	s7 =	simm.s32 $0x0;
	s20 =	sshll.u32 s5, $0x1;
	s5 =	sadd.s32 s21, s3  }
0x9d: {  	[timem:s7], [sflag:s22] =	dma.local [hbm:s5], s20  }
0x9e: {  	_ =	swait.ge [sflag:s22], s20  }
0x9f: {  	s4 =	ssub.s32 $0x0, s20;
	[sflag:s22] =	ssyncset.done $0x0  }
0xa0: {  	[sflag:s22] =	ssyncadd.s32 s4;
	_ =	sdelay $0x1  }
0xa1: {  	s23 =	simm.s32 $0x1B8B  }
0xa2: {  	_ =	swait.ge [sflag:s23], $0x1  }
0xa3: {  	[sflag:s23] =	ssyncset.done $0x0  }
0xa4: {  	s25 =	simm.s32 $0x1B8E;
	s24 =	sld [smem:$0x3FFE];
	[sflag:s23] =	ssyncadd.s32 $0xFFFFFFFF  }
0xa5: {  	s26 =	simm.s32 $execute0_lowered;
	[smem:$0x3FD2] =	sst s25  }
0xa6: {  	s5 =	sshll.u32 s26, $0x1;
	_ =	strace $0x80000046;
	[dreg:$0x1] =	wrdreg $0xFFFFFFFF  }
0xa7: {  	s28 =	simm.s32 $_size_execute0_lowered;
	s3 =	sadd.s32 s3, s5;
	[dreg:$0x0] =	wrdreg $0x0  }
0xa8: {  	s5 =	sshll.u32 s28, $0x1;
	[dreg:$0x2] =	wrdreg s3  }
0xa9: {  	[dreg:$0x3] =	wrdreg s5  }
0xaa: {  	[dreg:$0x4] =	wrdreg $0xC0  }
0xab: {  	_ =	task [dreg:s7], $0x5FFFF  }
0xac: {  	[dreg:$0x1] =	wrdreg $0xFFFFFFFF  }
0xad: {  	[dreg:$0x0] =	wrdreg $0x60  }
0xae: {  	[dreg:$0x2] =	wrdreg s24  }
0xaf: {  	[dreg:$0x3] =	wrdreg s2  }
0xb0: {  	[dreg:$0x4] =	wrdreg $0x196D00  }
0xb1: {  	[dreg:$0x5] =	wrdreg $0x1BDE00  }
0xb2: {  	[dreg:$0x6] =	wrdreg $0x9  }
0xb3: {  	_ =	task.clear_ibuf [dreg:s7], $0x7FFFF;
	_ =	strace $0x90000046  }
0xb4: {  	s29 =	simm.s32 $0x9;
	_ =	strace $0x80000048  }
0xb5: {  	_ =	swait.ge [sflag:s29], $0x1  }
0xb6: {  	[sflag:s29] =	ssyncadd.s32 $0xFFFFFFFF  }
0xb7: {  	_ =	strace $0x90000048  }
0xb8: {  	_ =	sfence  }
0xb9: {  	s30 =	sld [smem:$0x0];
	_ =	sdelay $0x2  }
0xba: {  	s31 =	sshll.u32 s1, $0xD;
	s1 =	sshrl.u32 s1, $0x2  }
0xbb: {  	s3 =	sand.u32 $0x4000, s31;
	s1 =	sadd.s32 s1, s30  }
0xbc: {  	s0 =	sor.u32 s3, s0;
	s1 =	sshll.u32 s1, $0x11  }
0xbd: {  	s0 =	sor.u32 s1, s0  }
0xbe: {  	s0 =	sadd.s32 $0x8F2B, s0  }
0xbf: {  	[sflag:s0] =	ssyncadd.remote.s32 $0x1  }
0xc0: {  	_ =	sfence.sel $0xFFFF  }
0xc1: {  	[dreg:$0x0] =	wrdreg $0xFFFFFFFF;
	(pc) =	sbr.abs _section_cstart, $3  }
0xc2: {  	[dreg:$0x1] =	wrdreg $0xFFFFFFFF  }
0xc3: {  	_ =	task.clear_ibuf [dreg:s7], $0x2FFFF;
	_ =	strace $0x9FFFFFFF  }
0xc4: {  	(tm) =	ssettm $0x7FFFFFFF  }
0xc5: {  	_ =	shalt  }
tec
execute0_lowered:
.L_overlay_start_1:
0x0: {  	(tag) =	ssettag $0x1  }
0x1: {  	s0 =	rddreg [dreg:$0x0]  }
0x2: {  	s1 =	rddreg [dreg:$0x1]  }
0x3: {  	s2 =	rddreg [dreg:$0x2]  }
0x4: {  	s3 =	rddreg [dreg:$0x3];
	s4 =	simm.s32 $0x0  }
0x5: {  	s12 =	stileid.u32;
	s5 =	srdreg.scid;
	s28 =	simm.s32 $0x9C0  }
0x6: {  	s29 =	simm.s32 $0x30C0;
	s30 =	simm.s32 $0x1380;
	s31 =	simm.s32 $0x3A80  }
0x7: {  	s6 =	smul.u32 $0x2710, s12;
	s5 =	sand.u32 $0x1, s5;
	s7 =	sshll.u32 s12, $0x1  }
0x8: {  	[smem:$0x7FF] =	sst s4;
	s16 =	smul.u32 $0x9C40, s12;
	p0 =	sgt.u32 s12, $0x1  }
0x9: {  	s8 =	smul.u32 $0x27100, s5;
	s7 =	sor.u32 s5, s7;
	_ =	strace $0x80000047  }
0xa: {  	s5 =	ssub.s32 $0x2, s5;
	s9 =	sshrl.u32 s6, $0x3;
	s10 =	smul.u32 $0x2700, s7  }
0xb: {  	s11 =	sshrl.u32 s5, $0x1;
	s19 =	sadd.s32 s6, s2;
	s22 =	sshrl.u32 s16, $0x2  }
0xc: {  	s16 =	sadd.s32 s6, s3;
	s7 =	sshll.u32 s7, $0x4;
	s9 =	sadd.s32 s9, s0  }
0xd: {  	s8 =	sadd.s32 s6, s8;
	s24 =	sadd.s32 s22, s3;
	s6 =	simm.s32 $0x3  }
0xe: {  	s8 =	sshrl.u32 s8, $0x3;
	s10 =	sshrl.u32 s10, $0x3;
	s9 =	sadd.s32 $0x2200, s9  }
0xf: {  	s25 =	sadd.s32 $0xFA0, s24;
	s26 =	sadd.s32 $0x1770, s24;
	s20 =	sadd.s32 $0x1F40, s24  }
0x10: {  	s0 =	sadd.s32 s8, s0;
	s8 =	ssub.s32 s5, s11;
	[dreg:$0xc] =	wrdreg s9  }
0x11: {  	s5 =	sadd.s32 s1, s10;
	s9 =	sadd.s32 $0x7D0, s24;
	[dreg:$0x10] =	wrdreg s25  }
0x12: {  	[dreg:$0x11] =	wrdreg s26;
	s1 =	sadd.s32 s7, s1;
	s25 =	sshrl.u32 s19, $0x3  }
0x13: {  	s26 =	simm.s32 $0x2700;
	s10 =	sadd.s32 $0x9C40, s5;
	[dreg:$0xf] =	wrdreg s9  }
0x14: {  	s7 =	simm.s32 $0x18F00;
	s11 =	sadd.s32 $0x138, s5;
	[dreg:$0x5] =	wrdreg s10  }
0x15: {  	s13 =	sadd.s32 $0x9D78, s5;
	s14 =	sadd.s32 $0x270, s5;
	[dreg:$0x6] =	wrdreg s11  }
0x16: {  	s15 =	sadd.s32 $0x9EB0, s5;
	s17 =	sadd.s32 $0x3A8, s5;
	[dreg:$0x7] =	wrdreg s13  }
0x17: {  	s18 =	sadd.s32 $0x9FE8, s5;
	s21 =	sadd.s32 $0x9C00, s1;
	[dreg:$0x8] =	wrdreg s14  }
0x18: {  	s22 =	sadd.s32 $0x13840, s1;
	s24 =	smax.u32 s8, $0x1;
	[dreg:$0x9] =	wrdreg s15  }
0x19: {  	s1 =	simm.s32 $0x4440;
	s8 =	simm.s32 $0x5;
	[dreg:$0xa] =	wrdreg s17  }
0x1a: {  	s9 =	simm.s32 $0x4F00;
	[dreg:$0xb] =	wrdreg s18;
	s13 =	sshll.u32 s12, $0x6  }
0x1b: {  	s10 =	simm.s32 $0xEB00;
	s11 =	simm.s32 $0x1;
	s12 =	simm.s32 $0x2  }
0x1c: {  	[dreg:$0xd] =	wrdreg s13;
	s23 =	sor.u32 $0x1C03, s13;
	s13 =	simm.s32 $0x0  }
0x1d: {  	v0 =	vimm.f32 $0.0e+00;
	[dreg:$0xe] =	wrdreg s23;
	s23 =	sadd.s32 $0x7200, s0;
	s0 =	simm.s32 $0x1D40  }
.LBB2_1:
0x1e: {  	[tilespmem:s4], [sflag:$0x3] =	stream.linear.gather [hbm4b:s5+s4], $0x9C0, $0x38;
	[tilespmem:$0x1E4F0] =	vst v63  }
0x1f: {  	s14 =	rddreg [dreg:$0x5]  }
0x20: {  	s17 =	rddreg [dreg:$0x6]  }
0x21: {  	s18 =	rddreg [dreg:$0x7]  }
0x22: {  	[tilespmem:s26], [sflag:$0x3] =	stream.linear.gather [hbm4b:s14+s4], $0x9C0, $0x38;
	[tilespmem:$0x1E4F0] =	vst v63  }
0x23: {  	s19 =	rddreg [dreg:$0x8]  }
0x24: {  	[tilespmem:s28], [sflag:$0x3] =	stream.linear.gather [hbm4b:s17+s4], $0x9C0, $0x38;
	[tilespmem:$0x1E4F0] =	vst v63  }
0x25: {  	s15 =	rddreg [dreg:$0x9]  }
0x26: {  	[tilespmem:s29], [sflag:$0x3] =	stream.linear.gather [hbm4b:s18+s4], $0x9C0, $0x38;
	[tilespmem:$0x1E4F0] =	vst v63  }
0x27: {  	s17 =	rddreg [dreg:$0xa]  }
0x28: {  	[tilespmem:s30], [sflag:$0x3] =	stream.linear.gather [hbm4b:s19+s4], $0x9C0, $0x38;
	[tilespmem:$0x1E4F0] =	vst v63  }
0x29: {  	s18 =	rddreg [dreg:$0xb]  }
0x2a: {  	[tilespmem:s31], [sflag:$0x3] =	stream.linear.gather [hbm4b:s15+s4], $0x9C0, $0x38;
	[tilespmem:$0x1E4F0] =	vst v63  }
0x2b: {  	s19 =	rddreg [dreg:$0xc]  }
0x2c: {  	[tilespmem:s0], [sflag:$0x3] =	stream.linear.gather [hbm4b:s17+s4], $0x9C0, $0x38;
	[tilespmem:$0x1E4F0] =	vst v63  }
0x2d: {  	s15 =	rddreg [dreg:$0xe]  }
0x2e: {  	[tilespmem:s1], [sflag:$0x3] =	stream.linear.gather [hbm4b:s18+s4], $0x9C0, $0x38;
	[tilespmem:$0x1E4F0] =	vst v63  }
0x2f: {  	[spmem:s25], [sflag:s15] =	dma.local [hbm:s19], $0x4E2  }
0x30: {  	s15 =	simm.s32 $0x18F40  }
0x31: {  	[tilespmem:s15+$0xFFFFFFC0] =	vst v0  }
0x32: {  	[tilespmem:s15+$0x30] =	vst v0  }
0x33: {  	[tilespmem:s15+$0x20] =	vst v0  }
0x34: {  	[tilespmem:s15+$0x10] =	vst v0  }
0x35: {  	[tilespmem:s15+$0x0] =	vst v0  }
0x36: {  	[tilespmem:s15+$0xFFFFFFF0] =	vst v0  }
0x37: {  	s17 =	simm.s32 $0x0;
	[tilespmem:s15+$0xFFFFFFE0] =	vst v0  }
.LBB2_2:
0x38: {  	s17 =	sadd.s32 $0x8, s17;
	[tilespmem:s15+$0xFFFFFFD0] =	vst v0;
	s15 =	sadd.s32 $0x80, s15  }
0x39: {  	[tilespmem:s15+$0xFFFFFFC0] =	vst v0;
	p1 =	slt.u32 s17, $0x70  }
0x3a: {  	[tilespmem:s15+$0x30] =	vst v0  }
.Ltmp0:
0x3b: {  	[tilespmem:s15+$0x20] =	vst v0;
	(pc) =	sbr.rel @p1 .LBB2_2-.Ltmp0, $4  }
0x3c: {  	[tilespmem:s15+$0x10] =	vst v0  }
0x3d: {  	[tilespmem:s15+$0x0] =	vst v0  }
0x3e: {  	[tilespmem:s15+$0xFFFFFFF0] =	vst v0  }
0x3f: {  	[tilespmem:s15+$0xFFFFFFE0] =	vst v0  }
0x40: {  	[tilespmem:s15+$0xFFFFFFD0] =	vst v0;
	s15 =	simm.s32 $0x0  }
.LBB2_4:
0x41: {  	p1 =	sne.s32 s15, $0x100  }
.Ltmp1:
0x42: {  	_ = 	snop;
	(pc) =	sbr.rel @p1 .LBB2_4-.Ltmp1, $3  }
0x43: {  	_ =	sdelay $0x1  }
0x44: {  	s17 =	sshra.s32 s15, $0x2  }
0x45: {  	s15 =	sadd.s32 $0x40, s15;
	[tilespmem:s17+$0x19680] =	vst v0  }
0x46: {  	_ =	swait.ge [sflag:s6], $0x9C0  }
0x47: {  	[sflag:s6] =	ssyncset.done $0x0  }
0x48: {  	[sflag:s6] =	ssyncadd.s32 $0xFFFFF640  }
0x49: {  	_ =	swait.ge [sflag:s6], $0x9C0  }
0x4a: {  	[sflag:s6] =	ssyncset.done $0x0  }
0x4b: {  	[sflag:s6] =	ssyncadd.s32 $0xFFFFF640  }
0x4c: {  	_ =	swait.ge [sflag:s6], $0x9C0  }
0x4d: {  	[sflag:s6] =	ssyncset.done $0x0  }
0x4e: {  	[sflag:s6] =	ssyncadd.s32 $0xFFFFF640  }
0x4f: {  	_ =	swait.ge [sflag:s6], $0x9C0  }
0x50: {  	[sflag:s6] =	ssyncset.done $0x0  }
0x51: {  	[sflag:s6] =	ssyncadd.s32 $0xFFFFF640  }
0x52: {  	_ =	swait.ge [sflag:s6], $0x9C0  }
0x53: {  	[sflag:s6] =	ssyncset.done $0x0  }
0x54: {  	[sflag:s6] =	ssyncadd.s32 $0xFFFFF640  }
0x55: {  	_ =	swait.ge [sflag:s6], $0x9C0  }
0x56: {  	[sflag:s6] =	ssyncset.done $0x0  }
0x57: {  	[sflag:s6] =	ssyncadd.s32 $0xFFFFF640  }
0x58: {  	_ =	swait.ge [sflag:s6], $0x9C0  }
0x59: {  	[sflag:s6] =	ssyncset.done $0x0  }
0x5a: {  	[sflag:s6] =	ssyncadd.s32 $0xFFFFF640  }
0x5b: {  	_ =	swait.ge [sflag:s6], $0x9C0  }
0x5c: {  	[sflag:s6] =	ssyncset.done $0x0  }
0x5d: {  	[sflag:s6] =	ssyncadd.s32 $0xFFFFF640  }
0x5e: {  	_ =	swait.ge [sflag:s6], $0x4E2  }
0x5f: {  	[sflag:s6] =	ssyncset.done $0x0  }
0x60: {  	[sflag:s6] =	ssyncadd.s32 $0xFFFFFB1E  }
0x61: {  	[spmem:s16] =	stream.linear.scatter [tilespmem:s7], [sflag:$0x5], $0x7D0, $0x38;
	[tilespmem:$0x1E4F0] =	vst v63  }
0x62: {  	_ =	swait.ge [sflag:s8], $0x7D0  }
0x63: {  	[sflag:s8] =	ssyncset.done $0x0  }
0x64: {  	s14 =	rddreg [dreg:$0xf];
	[sflag:s8] =	ssyncadd.s32 $0xFFFFF830  }
0x65: {  	[spmem:s14] =	stream.linear.scatter [tilespmem:s7], [sflag:$0x5], $0x7D0, $0x38;
	[tilespmem:$0x1E4F0] =	vst v63  }
0x66: {  	_ =	swait.ge [sflag:s8], $0x7D0  }
0x67: {  	[sflag:s8] =	ssyncset.done $0x0  }
0x68: {  	s15 =	rddreg [dreg:$0x10];
	[sflag:s8] =	ssyncadd.s32 $0xFFFFF830  }
0x69: {  	[spmem:s15] =	stream.linear.scatter [tilespmem:s7], [sflag:$0x5], $0x7D0, $0x38;
	[tilespmem:$0x1E4F0] =	vst v63  }
0x6a: {  	_ =	swait.ge [sflag:s8], $0x7D0  }
0x6b: {  	[sflag:s8] =	ssyncset.done $0x0  }
0x6c: {  	s17 =	rddreg [dreg:$0x11];
	[sflag:s8] =	ssyncadd.s32 $0xFFFFF830  }
0x6d: {  	[spmem:s17] =	stream.linear.scatter [tilespmem:s7], [sflag:$0x5], $0x7D0, $0x38;
	[tilespmem:$0x1E4F0] =	vst v63  }
0x6e: {  	_ =	swait.ge [sflag:s8], $0x7D0  }
0x6f: {  	[sflag:s8] =	ssyncset.done $0x0  }
0x70: {  	[sflag:s8] =	ssyncadd.s32 $0xFFFFF830  }
0x71: {  	[spmem:s20] =	stream.linear.scatter [tilespmem:s7], [sflag:$0x5], $0x7D0, $0x38;
	[tilespmem:$0x1E4F0] =	vst v63  }
0x72: {  	_ =	swait.ge [sflag:s8], $0x7D0  }
0x73: {  	[sflag:s8] =	ssyncset.done $0x0  }
0x74: {  	s18 =	simm.s32 @!p0 $0x5;
	[sflag:s8] =	ssyncadd.s32 $0xFFFFF830  }
0x75: {  	s15 =	simm.s32 @!p0 $0x0;
	s17 =	simm.s32 @!p0 $0x4E00;
	[bflag:$0x0] =	sbarrier.arrive $0xFFFF  }
0x76: {  	[tilespmem:s17], [sflag:$0x5] =	stream.linear.gather @!p0 [hbm4b:s21+s15], $0x80, $0x38;
	[tilespmem:$0x1E4F0] =	vst v63  }
0x77: {  	_ =	swait.ge @!p0 [sflag:s18], $0x80  }
0x78: {  	[sflag:s18] =	ssyncset.done @!p0 $0x0  }
0x79: {  	s14 =	simm.s32 @!p0 $0x4E80;
	[sflag:s18] =	ssyncadd.s32 @!p0 $0xFFFFFF80  }
0x7a: {  	[tilespmem:s14], [sflag:$0x5] =	stream.linear.gather @!p0 [hbm4b:s22+s15], $0x80, $0x38;
	[tilespmem:$0x1E4F0] =	vst v63  }
0x7b: {  	_ =	swait.ge @!p0 [sflag:s18], $0x80  }
0x7c: {  	[sflag:s18] =	ssyncset.done @!p0 $0x0  }
0x7d: {  	s19 =	simm.s32 @!p0 $0x18700;
	s15 =	simm.s32 @!p0 $0x80;
	[sflag:s18] =	ssyncadd.s32 @!p0 $0xFFFFFF80  }
0x7e: {  	[tilespmem:s19], [sflag:$0x4] =	stream.indirect.gather @!p0 [spmem:s2], $0x10, s17, s15, $0xb8;
	[tilespmem:$0x1E4F0] =	vst v63  }
0x7f: {  	s17 =	simm.s32 @!p0 $0x4  }
0x80: {  	_ =	swait.ge @!p0 [sflag:s17], $0x800  }
0x81: {  	[sflag:s17] =	ssyncset.done @!p0 $0x0  }
0x82: {  	[sflag:s17] =	ssyncadd.s32 @!p0 $0xFFFFF800  }
0x83: {  	[spmem:s3] =	stream.indirect.scatter.add.f32 @!p0 [tilespmem:s19], [sflag:$0x5], $0x10, s14, s15, $0xb8;
	[tilespmem:$0x1E4F0] =	vst v63  }
0x84: {  	_ =	swait.ge @!p0 [sflag:s18], $0x800  }
0x85: {  	[sflag:s18] =	ssyncset.done @!p0 $0x0  }
0x86: {  	[sflag:s18] =	ssyncadd.s32 @!p0 $0xFFFFF800  }
0x87: {  	[tilespmem:s9], [sflag:$0x1] =	stream.indirect.gather [spmem:s2], $0x10, s4, s28, $0xb8;
	[tilespmem:$0x1E4F0] =	vst v63  }
0x88: {  	_ = 	snop  }
0x89: {  	[tilespmem:s10], [sflag:$0x2] =	stream.indirect.gather [spmem:s2], $0x10, s28, s28, $0xb8;
	[tilespmem:$0x1E4F0] =	vst v63  }
0x8a: {  	_ =	swait.ge [sflag:s11], $0x9C00  }
0x8b: {  	[sflag:s11] =	ssyncset.done $0x0  }
0x8c: {  	[sflag:s11] =	ssyncadd.s32 $0xFFFF6400  }
0x8d: {  	[spmem:s3] =	stream.indirect.scatter.add.f32 [tilespmem:s9], [sflag:$0x5], $0x10, s26, s28, $0xb8;
	[tilespmem:$0x1E4F0] =	vst v63  }
0x8e: {  	_ =	swait.ge [sflag:s8], $0x9C00  }
0x8f: {  	[sflag:s8] =	ssyncset.done $0x0  }
0x90: {  	[sflag:s8] =	ssyncadd.s32 $0xFFFF6400  }
0x91: {  	[tilespmem:s9], [sflag:$0x1] =	stream.indirect.gather [spmem:s2], $0x10, s30, s28, $0xb8;
	[tilespmem:$0x1E4F0] =	vst v63  }
0x92: {  	_ =	swait.ge [sflag:s12], $0x9C00  }
0x93: {  	[sflag:s12] =	ssyncset.done $0x0  }
0x94: {  	[sflag:s12] =	ssyncadd.s32 $0xFFFF6400  }
0x95: {  	[spmem:s3] =	stream.indirect.scatter.add.f32 [tilespmem:s10], [sflag:$0x5], $0x10, s29, s28, $0xb8;
	[tilespmem:$0x1E4F0] =	vst v63  }
0x96: {  	_ =	swait.ge [sflag:s8], $0x9C00  }
0x97: {  	[sflag:s8] =	ssyncset.done $0x0  }
0x98: {  	[sflag:s8] =	ssyncadd.s32 $0xFFFF6400  }
0x99: {  	[tilespmem:s10], [sflag:$0x2] =	stream.indirect.gather [spmem:s2], $0x10, s0, s28, $0xb8;
	[tilespmem:$0x1E4F0] =	vst v63  }
0x9a: {  	_ =	swait.ge [sflag:s11], $0x9C00  }
0x9b: {  	[sflag:s11] =	ssyncset.done $0x0  }
0x9c: {  	[sflag:s11] =	ssyncadd.s32 $0xFFFF6400  }
0x9d: {  	[spmem:s3] =	stream.indirect.scatter.add.f32 [tilespmem:s9], [sflag:$0x5], $0x10, s31, s28, $0xb8;
	[tilespmem:$0x1E4F0] =	vst v63  }
0x9e: {  	_ =	swait.ge [sflag:s8], $0x9C00  }
0x9f: {  	[sflag:s8] =	ssyncset.done $0x0  }
0xa0: {  	[sflag:s8] =	ssyncadd.s32 $0xFFFF6400  }
0xa1: {  	_ =	swait.ge [sflag:s12], $0x9C00  }
0xa2: {  	[sflag:s12] =	ssyncset.done $0x0  }
0xa3: {  	[sflag:s12] =	ssyncadd.s32 $0xFFFF6400  }
0xa4: {  	[spmem:s3] =	stream.indirect.scatter.add.f32 [tilespmem:s10], [sflag:$0x5], $0x10, s1, s28, $0xb8;
	[tilespmem:$0x1E4F0] =	vst v63  }
0xa5: {  	_ =	swait.ge [sflag:s8], $0x9C00  }
0xa6: {  	[sflag:s8] =	ssyncset.done $0x0  }
0xa7: {  	[sflag:s8] =	ssyncadd.s32 $0xFFFF6400  }
0xa8: {  	s13 =	sadd.s32 $0x1, s13;
	[bflag:$0x0] =	sbarrier.arrive $0xFFFF  }
0xa9: {  	p1 =	sne.s32 s13, s24;
	s18 =	rddreg [dreg:$0xd]  }
.Ltmp2:
0xaa: {  	s19 =	sshrl.u32 s16, $0x3;
	s14 =	sor.u32 $0x1C05, s18;
	(pc) =	sbr.rel @p1 .LBB2_1-.Ltmp2, $4  }
0xab: {  	[hbm:s23], [sflag:s14] =	dma.local [spmem:s19], $0x4E2  }
0xac: {  	_ =	swait.ge [sflag:s8], $0x4E2  }
0xad: {  	[sflag:s8] =	ssyncset.done $0x0  }
0xae: {  	[sflag:s8] =	ssyncadd.s32 $0xFFFFFB1E  }
0xaf: {  	_ =	sfence.sel $0x180000  }
0xb0: {  	[bflag:$0x0] =	sbarrier.arrive $0xFFFF  }
0xb1: {  	_ =	strace $0x90000047  }
0xb2: {  	s0 =	stileid.u32;
	[bflag:$0x2] =	sbarrier.arrive $0xFFFF  }
0xb3: {  	p0 =	sne.s32 s0, $0x0;
	s0 =	rddreg [dreg:$0x4]  }
0xb4: {  	s0 =	sadd.s32 @!p0 $0x100000, s0  }
0xb5: {  	[sflag:s0] =	ssyncadd.tile.s32 @!p0 $0x1;
	_ =	shalt  }
.Lfunc_end2:
_tile_overlayer_lowered:
.L_overlay_start_2:
0xb6: {  	(tag) =	ssettag $0x2  }
0xb7: {  	s0 =	rddreg [dreg:$0x0];
	s2 =	stileid.u32  }
0xb8: {  	s1 =	rddreg [dreg:$0x1];
	p0 =	sne.s32 s2, $0x0  }
0xb9: {  	s3 =	rddreg [dreg:$0x2];
	[bflag:$0x3] =	sbarrier.arrive $0xFFFF;
	s2 =	simm.s32 @!p0 $0x1C05  }
0xba: {  	[timem:s3], [sflag:s2] =	dma.local @!p0 [hbm:s0], s1  }
0xbb: {  	s0 =	simm.s32 @!p0 $0x5  }
0xbc: {  	_ =	swait.ge @!p0 [sflag:s0], s1  }
0xbd: {  	s1 =	ssub.s32 @!p0 $0x0, s1;
	[sflag:s0] =	ssyncset.done @!p0 $0x0  }
0xbe: {  	[sflag:s0] =	ssyncadd.s32 @!p0 s1  }
0xbf: {  	[bflag:$0x3] =	sbarrier.arrive $0xFFFF  }
0xc0: {  	_ =	shalt  }

</sc_bundles>
